<compile_context>
chip_gen: v7x
topology: tpu7x:2x2x1
jax: 0.10.2.dev20260603
libtpu: 0.0.44.dev20260713+nightly
codegen_flags: <defaults>
</compile_context>

<pallas_src>
import dataclasses
import functools

import jax
import jax.numpy as jnp
import numpy as np
from jax import lax
from jax.experimental import pallas as pl
from jax.experimental.pallas import tpu as pltpu
from jax.experimental.pallas import tpu_sc as plsc

F32 = jnp.float32
I32 = jnp.int32


def _sc_compiler_params():
    cp = pltpu.CompilerParams()
    if "needs_layout_passes" in pltpu.CompilerParams.__dataclass_fields__:
        cp = dataclasses.replace(cp, needs_layout_passes=False)
    return cp


def _k1_body(x_ref, w_ref, b_ref, wa_ref, wp_ref, lab_ref, wbar_ref):
    ip = x_ref[0]
    cols = [ip[:, dy:dy + 224, dx:dx + 224]
            for dy in range(3) for dx in range(3)]
    xx = jnp.stack(cols, axis=0)
    xx = xx.reshape(27, 224 * 224)
    logits = jnp.dot(w_ref[...], xx, preferred_element_type=F32) + b_ref[...]
    lab_ref[0, 0, :] = jnp.argmax(logits, axis=0).astype(I32)

    @pl.when(pl.program_id(0) == 0)
    def _():
        wbar_ref[...] = jnp.dot(wa_ref[...], wp_ref[...],
                                preferred_element_type=F32)


def _run_k1(imgp, W27, b64, wa, Wp2, B, HW):
    return pl.pallas_call(
        _k1_body,
        grid=(B,),
        in_specs=[
            pl.BlockSpec((1, 3, 226, 226), lambda b: (b, 0, 0, 0)),
            pl.BlockSpec((64, 27), lambda b: (0, 0)),
            pl.BlockSpec((64, 1), lambda b: (0, 0)),
            pl.BlockSpec((1, 96), lambda b: (0, 0)),
            pl.BlockSpec((96, 768), lambda b: (0, 0)),
        ],
        out_specs=[
            pl.BlockSpec((1, 1, HW), lambda b: (b, 0, 0)),
            pl.BlockSpec((1, 768), lambda b: (0, 0)),
        ],
        out_shape=[
            jax.ShapeDtypeStruct((B, 1, HW), I32),
            jax.ShapeDtypeStruct((1, 768), F32),
        ],
    )(imgp, W27, b64, wa, Wp2)


def _run_ksc(labels, pid, off, img_flat, wbar, zeros256, zeros768,
             B, HW, TPI, NPIX):
    mesh = plsc.VectorSubcoreMesh(core_axis_name="c", subcore_axis_name="s")
    SB = 64 * 256
    CH = SB // TPI

    @functools.partial(
        pl.kernel,
        mesh=mesh,
        compiler_params=_sc_compiler_params(),
        out_type=[
            jax.ShapeDtypeStruct((B, TPI, 64, 768), F32),
            jax.ShapeDtypeStruct((B * TPI * 64,), F32),
            jax.ShapeDtypeStruct((B * TPI * SB,), F32),
        ],
        scratch_types=[
            pltpu.VMEM((NPIX,), I32),
            pltpu.VMEM((NPIX,), I32),
            pltpu.VMEM((NPIX,), I32),
            pltpu.VMEM((NPIX,), F32),
            pltpu.VMEM((NPIX,), F32),
            pltpu.VMEM((NPIX,), F32),
            pltpu.VMEM((768,), F32),
            pltpu.VMEM((SB,), F32),
            pltpu.VMEM(((TPI - 1) * CH,), F32),
            pltpu.VMEM((64, 768), F32),
            pltpu.VMEM((64,), F32),
            pltpu.VMEM_SHARED((2 * SB,), F32),
            pltpu.SemaphoreType.DMA,
        ],
    )
    def ksc(lab_hbm, pid_hbm, off_hbm, img_hbm, wbar_hbm, z256_hbm, z768_hbm,
            zw_out, c_out, ws_out,
            lbl_v, pid_v, off_v, i0_v, i1_v, i2_v, wbar_v, sacc, chk_v,
            zacc, cacc, shared, sem):
        sid = lax.axis_index("s")
        wid = lax.axis_index("c") * 16 + sid
        b = wid // TPI
        part = wid % TPI
        slot = sid // TPI
        base = part * NPIX
        cps = [
            pltpu.async_copy(lab_hbm.at[pl.ds(b * HW + base, NPIX)], lbl_v,
                             sem),
            pltpu.async_copy(pid_hbm.at[pl.ds(base, NPIX)], pid_v, sem),
            pltpu.async_copy(off_hbm.at[pl.ds(base, NPIX)], off_v, sem),
            pltpu.async_copy(img_hbm.at[pl.ds((b * 3 + 0) * HW + base, NPIX)],
                             i0_v, sem),
            pltpu.async_copy(img_hbm.at[pl.ds((b * 3 + 1) * HW + base, NPIX)],
                             i1_v, sem),
            pltpu.async_copy(img_hbm.at[pl.ds((b * 3 + 2) * HW + base, NPIX)],
                             i2_v, sem),
            pltpu.async_copy(wbar_hbm, wbar_v, sem),
            pltpu.async_copy(z256_hbm, sacc, sem),
            pltpu.async_copy(z768_hbm, zacc, sem),
        ]
        for cp in cps:
            cp.wait()

        @pl.loop(0, 64, step=16)
        def _(j):
            cacc[pl.ds(j, 16)] = jnp.zeros((16,), F32)

        ones = jnp.full((16,), 1.0, F32)
        lane16 = lax.broadcasted_iota(I32, (16,), 0)
        zero16 = jnp.zeros((16,), F32)

        @plsc.parallel_loop(0, NPIX, 16, unroll=4)
        def _(i):
            sl = pl.ds(i, 16)
            lbl = lbl_v[sl]
            pidv = pid_v[sl]
            offv = off_v[sl]
            w0 = plsc.load_gather(wbar_v, [offv])
            w1 = plsc.load_gather(wbar_v, [offv + 256])
            w2 = plsc.load_gather(wbar_v, [offv + 512])
            u = i0_v[sl] * w0 + i1_v[sl] * w1 + i2_v[sl] * w2
            plsc.addupdate_scatter(sacc, [lbl * 256 + pidv], u)
            plsc.store_scatter(cacc, [lbl], ones)

        pltpu.sync_copy(sacc, ws_out.at[pl.ds(wid * SB, SB)])
        plsc.subcore_barrier()
        ccps = [
            pltpu.async_copy(
                ws_out.at[pl.ds(
                    (b * TPI + jnp.where(p >= part, p + 1, p)) * SB
                    + part * CH, CH)],
                chk_v.at[pl.ds(p * CH, CH)], sem)
            for p in range(TPI - 1)
        ]
        for cp in ccps:
            cp.wait()

        @pl.loop(0, CH, step=64)
        def _(j):
            for q in range(4):
                dst = pl.ds(part * CH + j + q * 16, 16)
                acc = sacc[dst]
                for p in range(TPI - 1):
                    acc = acc + chk_v[pl.ds(p * CH + j + q * 16, 16)]
                sacc[dst] = acc

        pltpu.sync_copy(sacc.at[pl.ds(part * CH, CH)],
                        shared.at[pl.ds(slot * SB + part * CH, CH)])
        plsc.subcore_barrier()
        pltpu.sync_copy(shared.at[pl.ds(slot * SB, SB)], sacc)

        valid12 = lane16 < 4

        @pl.loop(0, 49)
        def _(s):
            r0 = s * 256
            m = jnp.full((16,), -1e30, F32)
            for j in range(12):
                m = jnp.maximum(m, sacc[pl.ds(r0 + j * 16, 16)])
            m = jnp.maximum(
                m, jnp.where(valid12, sacc[pl.ds(r0 + 192, 16)], -1e30))
            mx = jnp.max(m)
            acc = zero16
            for j in range(12):
                e = jnp.exp(sacc[pl.ds(r0 + j * 16, 16)] - mx)
                sacc[pl.ds(r0 + j * 16, 16)] = e
                acc = acc + e
            e12 = jnp.where(valid12,
                            jnp.exp(sacc[pl.ds(r0 + 192, 16)] - mx), 0.0)
            sacc[pl.ds(r0 + 192, 16)] = e12
            acc = acc + e12
            inv = jnp.full((16,), 1.0, F32) / (zero16 + jnp.sum(acc))
            for j in range(13):
                sacc[pl.ds(r0 + j * 16, 16)] = (
                    sacc[pl.ds(r0 + j * 16, 16)] * inv)

        @plsc.parallel_loop(0, NPIX, 16, unroll=4)
        def _(i):
            sl = pl.ds(i, 16)
            lbl = lbl_v[sl]
            pidv = pid_v[sl]
            offv = off_v[sl]
            a = plsc.load_gather(sacc, [lbl * 256 + pidv])
            plsc.addupdate_scatter(zacc, [lbl, offv], i0_v[sl] * a)
            plsc.addupdate_scatter(zacc, [lbl, offv + 256], i1_v[sl] * a)
            plsc.addupdate_scatter(zacc, [lbl, offv + 512], i2_v[sl] * a)

        pltpu.sync_copy(zacc, zw_out.at[b, part])
        pltpu.sync_copy(cacc, c_out.at[pl.ds(wid * 64, 64)])

    return ksc(labels, pid, off, img_flat, wbar, zeros256, zeros768)[:2]


def _k5_body(zw_ref, cnt_ref, wq_ref, bp_ref, wo_ref, bo_ref, out_ref):
    Z = jnp.sum(zw_ref[0], axis=0)
    pooled = jnp.dot(Z, wq_ref[...], preferred_element_type=F32) + bp_ref[...]
    feats = jnp.dot(pooled, wo_ref[...], preferred_element_type=F32) + bo_ref[...]
    cnt = jnp.sum(cnt_ref[0], axis=0)
    present = cnt > 0.5
    pr = present.astype(F32)[None, :]
    r = lax.broadcasted_iota(I32, (64, 64), 0)
    c = lax.broadcasted_iota(I32, (64, 64), 1)
    pos = jnp.sum(jnp.where(c <= r, pr, 0.0), axis=1)
    perm = jnp.where((pos[None, :] - 1.0 == r.astype(F32)) & present[None, :],
                     1.0, 0.0)
    outb = jnp.dot(perm, feats, preferred_element_type=F32)
    out_ref[0] = outb[:49]


def _run_k5(zw_part, cnt_part, Wq, bp, Wo, bo, B, TPI):
    return pl.pallas_call(
        _k5_body,
        grid=(B,),
        in_specs=[
            pl.BlockSpec((1, TPI, 64, 768), lambda b: (b, 0, 0, 0)),
            pl.BlockSpec((1, TPI, 64), lambda b: (b, 0, 0)),
            pl.BlockSpec((768, 96), lambda b: (0, 0)),
            pl.BlockSpec((1, 96), lambda b: (0, 0)),
            pl.BlockSpec((96, 768), lambda b: (0, 0)),
            pl.BlockSpec((1, 768), lambda b: (0, 0)),
        ],
        out_specs=pl.BlockSpec((1, 49, 768), lambda b: (b, 0, 0)),
        out_shape=jax.ShapeDtypeStruct((B, 49, 768), F32),
    )(zw_part, cnt_part, Wq, bp, Wo, bo)


def kernel(img, W_spix, b_spix, W_patch, b_patch, w_attn, W_out, b_out):
    B, C, H, Wd = img.shape
    S = W_spix.shape[0]
    stem = W_patch.shape[0]
    patch = W_patch.shape[2]
    HP = H // patch
    HW = H * Wd
    TPI = 32 // B
    NPIX = HW // TPI

    y = np.arange(H)[:, None]
    x = np.arange(Wd)[None, :]
    pid = jnp.asarray(((y // patch) * HP + (x // patch))
                      .astype(np.int32).reshape(-1))
    off = jnp.asarray(((y % patch) * patch + (x % patch))
                      .astype(np.int32).reshape(-1))

    imgp = jnp.pad(img, ((0, 0), (0, 0), (1, 1), (1, 1)))

    W27 = W_spix.transpose(0, 2, 3, 1).reshape(S, 9 * C)
    W27 = jnp.pad(W27, ((0, 64 - S), (0, 0)))
    b64 = jnp.pad(b_spix, (0, 64 - S),
                  constant_values=-1e30)[:, None]
    Wp2 = W_patch.reshape(stem, C * patch * patch)

    labels, wbar = _run_k1(imgp, W27, b64, w_attn[None, :], Wp2, B, HW)
    labels = labels.reshape(B * HW)
    wbar = wbar.reshape(768)

    img_flat = img.reshape(B * C * HW)
    zeros256 = jnp.zeros((64 * 256,), F32)
    zeros768 = jnp.zeros((64, 768), F32)

    zw_part, cnt_part = _run_ksc(labels, pid, off, img_flat, wbar,
                                 zeros256, zeros768, B, HW, TPI, NPIX)
    out = _run_k5(zw_part, cnt_part.reshape(B, TPI, 64), Wp2.T,
                  b_patch[None, :], W_out, b_out[None, :], B, TPI)
    return out

# --- scband reference (transcript-rebuilt; emitter-appended) ---
"""Pipeline reference for scband-differentiable-superpixel-embedding-38946763440627 (READ-ONLY COPY).

The authoritative reference and input builder live on the scoring server;
editing this copy changes nothing except your own understanding.
"""

import jax, jax.numpy as jnp
import numpy as np


def _conv(x, w, b, stride, padding):
    out = jax.lax.conv_general_dilated(
        x, w, (stride, stride), padding,
        dimension_numbers=('NCHW', 'OIHW', 'NCHW'))
    return out + b[None, :, None, None]


def setup_inputs(seed: int = 0) -> dict:
    key = jax.random.key(seed)
    ks = jax.random.split(key, 8)
    B, C, H, W = 4, 3, 224, 224
    S, D = 49, 768
    stem, patch = 96, 16
    img = jax.random.normal(ks[0], (B, C, H, W), jnp.float32)
    W_spix = jax.random.normal(ks[1], (S, C, 3, 3), jnp.float32) * 0.1
    b_spix = jnp.zeros((S,), jnp.float32)
    W_patch = jax.random.normal(ks[2], (stem, C, patch, patch), jnp.float32) * np.float32(1.0 / np.sqrt(C * patch * patch))
    b_patch = jnp.zeros((stem,), jnp.float32)
    w_attn = jax.random.normal(ks[3], (stem,), jnp.float32) * np.float32(1.0 / np.sqrt(stem))
    W_out = jax.random.normal(ks[4], (stem, D), jnp.float32) * np.float32(1.0 / np.sqrt(stem))
    b_out = jnp.zeros((D,), jnp.float32)
    return {"img": img, "W_spix": W_spix, "b_spix": b_spix,
            "W_patch": W_patch, "b_patch": b_patch, "w_attn": w_attn,
            "W_out": W_out, "b_out": b_out}


def reference(img, W_spix, b_spix, W_patch, b_patch, w_attn, W_out, b_out):
    B, C, H, Wd = img.shape
    S = W_spix.shape[0]
    stem = W_patch.shape[0]
    patch = W_patch.shape[2]
    D = W_out.shape[1]
    # SpixelNet: per-pixel segment logits, argmax over segment channel (torch.max dim=1)
    logits = _conv(img, W_spix, b_spix, 1, 'SAME')          # [B, S, H, W]
    labels = jnp.argmax(logits, axis=1)                      # [B, H, W]
    # mask per (batch, label) -- equivalent to looping over torch.unique labels
    masks = (labels[:, None, :, :] == jnp.arange(S)[None, :, None, None])  # [B, S, H, W]
    segmented = img[:, None, :, :, :] * masks[:, :, None, :, :].astype(img.dtype)  # [B, S, C, H, W]
    seg_flat = segmented.reshape(B * S, C, H, Wd)
    # AttentionSpatialTransformer: patchify conv + spatial attention pooling + linear
    tokens = _conv(seg_flat, W_patch, b_patch, patch, 'VALID')  # [B*S, stem, H/p, W/p]
    t = tokens.reshape(B * S, stem, -1)                          # [N, stem, P]
    scores = jnp.einsum('ncp,c->np', t, w_attn)
    attn = jax.nn.softmax(scores, axis=-1)
    pooled = jnp.einsum('ncp,np->nc', t, attn)                   # [N, stem]
    feats = pooled @ W_out + b_out                               # [N, D]
    # compaction: only segments actually present get a slot, in sorted-label order
    present = masks.any(axis=(2, 3))                             # [B, S]
    pos = jnp.cumsum(present.astype(jnp.int32), axis=1) - 1
    pos_safe = jnp.where(present, pos, S)
    b_ids = jnp.broadcast_to(jnp.arange(B)[:, None], (B, S))
    feats_r = feats.reshape(B, S, D) * present[:, :, None].astype(feats.dtype)
    out = jnp.zeros((B, S + 1, D), feats.dtype).at[b_ids, pos_safe].add(feats_r)
    return out[:, :S, :]

if __name__ == "__main__":
    import jax
    _d = setup_inputs()
    print(jax.jit(kernel)(*tuple(_d.values())))

</pallas_src>

<mosaic_0001>
#map = affine_map<(d0, d1) -> (0)>
#map1 = affine_map<(d0, d1) -> (0, 0)>
#map2 = affine_map<(d0, d1) -> (0, 0, 0, 0)>
module attributes {stable_mosaic.version = 14 : i64} {
  func.func @ksc(%arg0: i32, %arg1: i32, %arg2: memref<200704xi32, #tpu.memory_space<hbm>>, %arg3: memref<50176xi32, #tpu.memory_space<hbm>>, %arg4: memref<50176xi32, #tpu.memory_space<hbm>>, %arg5: memref<602112xf32, #tpu.memory_space<hbm>>, %arg6: memref<768xf32, #tpu.memory_space<hbm>>, %arg7: memref<16384xf32, #tpu.memory_space<hbm>>, %arg8: memref<64x768xf32, #tpu.memory_space<hbm>>, %arg9: memref<4x8x64x768xf32, #tpu.memory_space<hbm>>, %arg10: memref<2048xf32, #tpu.memory_space<hbm>>, %arg11: memref<524288xf32, #tpu.memory_space<hbm>>, %arg12: memref<6272xi32, #tpu.memory_space<vmem>>, %arg13: memref<6272xi32, #tpu.memory_space<vmem>>, %arg14: memref<6272xi32, #tpu.memory_space<vmem>>, %arg15: memref<6272xf32, #tpu.memory_space<vmem>>, %arg16: memref<6272xf32, #tpu.memory_space<vmem>>, %arg17: memref<6272xf32, #tpu.memory_space<vmem>>, %arg18: memref<768xf32, #tpu.memory_space<vmem>>, %arg19: memref<16384xf32, #tpu.memory_space<vmem>>, %arg20: memref<14336xf32, #tpu.memory_space<vmem>>, %arg21: memref<64x768xf32, #tpu.memory_space<vmem>>, %arg22: memref<64xf32, #tpu.memory_space<vmem>>, %arg23: memref<32768xf32, #tpu.memory_space<vmem_shared>>, %arg24: memref<!tpu.dma_semaphore, #tpu.memory_space<semaphore_mem>>) attributes {dimension_semantics = [#tpu.dimension_semantics<core_parallel>, #tpu.dimension_semantics<subcore_parallel>], iteration_bounds = array<i64: 2, 16>, scalar_prefetch = 0 : i64, scratch_operands = 13 : i64, tpu.core_type = #tpu.core_type<sc_vector_subcore>, window_params = [{transform_indices = #map}, {transform_indices = #map}, {transform_indices = #map}, {transform_indices = #map}, {transform_indices = #map}, {transform_indices = #map}, {transform_indices = #map1}, {transform_indices = #map2}, {transform_indices = #map}, {transform_indices = #map}]} {
    %mul3A = arith.constant 16 : i32
    %mul3A_0 = arith.muli %arg0, %mul3A : i32
    %add3A = arith.addi %mul3A_0, %arg1 : i32
    %jit3A = arith.constant 8 : i32
    %div3A = arith.divsi %add3A, %jit3A : i32
    %sign3A = arith.constant 0 : i32
    %sign3A_1 = arith.cmpi sgt, %add3A, %sign3A : i32
    %sign3A_2 = arith.extui %sign3A_1 : i1 to i32
    %sign3A_3 = arith.constant 0 : i32
    %sign3A_4 = arith.cmpi slt, %add3A, %sign3A_3 : i32
    %sign3A_5 = arith.extui %sign3A_4 : i1 to i32
    %sign3A_6 = arith.subi %sign3A_2, %sign3A_5 : i32
    %sign3A_7 = arith.constant 0 : i32
    %sign3A_8 = arith.cmpi sgt, %jit3A, %sign3A_7 : i32
    %sign3A_9 = arith.extui %sign3A_8 : i1 to i32
    %sign3A_10 = arith.constant 0 : i32
    %sign3A_11 = arith.cmpi slt, %jit3A, %sign3A_10 : i32
    %sign3A_12 = arith.extui %sign3A_11 : i1 to i32
    %sign3A_13 = arith.subi %sign3A_9, %sign3A_12 : i32
    %ne3A = arith.cmpi ne, %sign3A_6, %sign3A_13 : i32
    %rem3A = arith.remsi %add3A, %jit3A : i32
    %ne3A_14 = arith.constant 0 : i32
    %ne3A_15 = arith.cmpi ne, %rem3A, %ne3A_14 : i32
    %and3A = arith.andi %ne3A, %ne3A_15 : i1
    %sub3A = arith.constant 1 : i32
    %sub3A_16 = arith.subi %div3A, %sub3A : i32
    %select_n3A = arith.select %and3A, %sub3A_16, %div3A : i32
    %jit3A_17 = arith.constant 8 : i32
    %eq3A = arith.constant 0 : i32
    %eq3A_18 = arith.cmpi eq, %jit3A_17, %eq3A : i32
    %jit3A_19 = arith.constant 1 : i32
    %select_n3A_20 = arith.select %eq3A_18, %jit3A_19, %jit3A_17 : i32
    %rem3A_21 = arith.remsi %add3A, %select_n3A_20 : i32
    %ne3A_22 = arith.constant 0 : i32
    %ne3A_23 = arith.cmpi ne, %rem3A_21, %ne3A_22 : i32
    %lt3A = arith.constant 0 : i32
    %lt3A_24 = arith.cmpi slt, %rem3A_21, %lt3A : i32
    %lt3A_25 = arith.constant 0 : i32
    %lt3A_26 = arith.cmpi slt, %select_n3A_20, %lt3A_25 : i32
    %ne3A_27 = arith.xori %lt3A_24, %lt3A_26 : i1
    %and3A_28 = arith.andi %ne3A_27, %ne3A_23 : i1
    %add3A_29 = arith.addi %rem3A_21, %select_n3A_20 : i32
    %select_n3A_30 = arith.select %and3A_28, %add3A_29, %rem3A_21 : i32
    %jit3A_31 = arith.constant 8 : i32
    %div3A_32 = arith.divsi %arg1, %jit3A_31 : i32
    %sign3A_33 = arith.constant 0 : i32
    %sign3A_34 = arith.cmpi sgt, %arg1, %sign3A_33 : i32
    %sign3A_35 = arith.extui %sign3A_34 : i1 to i32
    %sign3A_36 = arith.constant 0 : i32
    %sign3A_37 = arith.cmpi slt, %arg1, %sign3A_36 : i32
    %sign3A_38 = arith.extui %sign3A_37 : i1 to i32
    %sign3A_39 = arith.subi %sign3A_35, %sign3A_38 : i32
    %sign3A_40 = arith.constant 0 : i32
    %sign3A_41 = arith.cmpi sgt, %jit3A_31, %sign3A_40 : i32
    %sign3A_42 = arith.extui %sign3A_41 : i1 to i32
    %sign3A_43 = arith.constant 0 : i32
    %sign3A_44 = arith.cmpi slt, %jit3A_31, %sign3A_43 : i32
    %sign3A_45 = arith.extui %sign3A_44 : i1 to i32
    %sign3A_46 = arith.subi %sign3A_42, %sign3A_45 : i32
    %ne3A_47 = arith.cmpi ne, %sign3A_39, %sign3A_46 : i32
    %rem3A_48 = arith.remsi %arg1, %jit3A_31 : i32
    %ne3A_49 = arith.constant 0 : i32
    %ne3A_50 = arith.cmpi ne, %rem3A_48, %ne3A_49 : i32
    %and3A_51 = arith.andi %ne3A_47, %ne3A_50 : i1
    %sub3A_52 = arith.constant 1 : i32
    %sub3A_53 = arith.subi %div3A_32, %sub3A_52 : i32
    %select_n3A_54 = arith.select %and3A_51, %sub3A_53, %div3A_32 : i32
    %mul3A_55 = arith.constant 6272 : i32
    %mul3A_56 = arith.muli %select_n3A_30, %mul3A_55 : i32
    %mul3A_57 = arith.constant 50176 : i32
    %mul3A_58 = arith.muli %select_n3A, %mul3A_57 : i32
    %add3A_59 = arith.addi %mul3A_58, %mul3A_56 : i32
    %dma_start3A = tpu.memref_slice %arg2[%add3A_59] : memref<200704xi32, #tpu.memory_space<hbm>> -> memref<6272xi32, #tpu.memory_space<hbm>>
    %dma_start3A_60 = tpu.memref_slice %arg2[%add3A_59] : memref<200704xi32, #tpu.memory_space<hbm>> -> memref<6272xi32, #tpu.memory_space<hbm>>
    tpu.enqueue_dma source(%dma_start3A_60 : memref<6272xi32, #tpu.memory_space<hbm>>) target(%arg12 : memref<6272xi32, #tpu.memory_space<vmem>>) target_semaphore(%arg24 : memref<!tpu.dma_semaphore, #tpu.memory_space<semaphore_mem>>)
    %dma_start3A_61 = tpu.memref_slice %arg3[%mul3A_56] : memref<50176xi32, #tpu.memory_space<hbm>> -> memref<6272xi32, #tpu.memory_space<hbm>>
    %dma_start3A_62 = tpu.memref_slice %arg3[%mul3A_56] : memref<50176xi32, #tpu.memory_space<hbm>> -> memref<6272xi32, #tpu.memory_space<hbm>>
    tpu.enqueue_dma source(%dma_start3A_62 : memref<6272xi32, #tpu.memory_space<hbm>>) target(%arg13 : memref<6272xi32, #tpu.memory_space<vmem>>) target_semaphore(%arg24 : memref<!tpu.dma_semaphore, #tpu.memory_space<semaphore_mem>>)
    %dma_start3A_63 = tpu.memref_slice %arg4[%mul3A_56] : memref<50176xi32, #tpu.memory_space<hbm>> -> memref<6272xi32, #tpu.memory_space<hbm>>
    %dma_start3A_64 = tpu.memref_slice %arg4[%mul3A_56] : memref<50176xi32, #tpu.memory_space<hbm>> -> memref<6272xi32, #tpu.memory_space<hbm>>
    tpu.enqueue_dma source(%dma_start3A_64 : memref<6272xi32, #tpu.memory_space<hbm>>) target(%arg14 : memref<6272xi32, #tpu.memory_space<vmem>>) target_semaphore(%arg24 : memref<!tpu.dma_semaphore, #tpu.memory_space<semaphore_mem>>)
    %mul3A_65 = arith.constant 3 : i32
    %mul3A_66 = arith.muli %select_n3A, %mul3A_65 : i32
    %add3A_67 = arith.constant 0 : i32
    %add3A_68 = arith.addi %mul3A_66, %add3A_67 : i32
    %mul3A_69 = arith.constant 50176 : i32
    %mul3A_70 = arith.muli %add3A_68, %mul3A_69 : i32
    %add3A_71 = arith.addi %mul3A_70, %mul3A_56 : i32
    %dma_start3A_72 = tpu.memref_slice %arg5[%add3A_71] : memref<602112xf32, #tpu.memory_space<hbm>> -> memref<6272xf32, #tpu.memory_space<hbm>>
    %dma_start3A_73 = tpu.memref_slice %arg5[%add3A_71] : memref<602112xf32, #tpu.memory_space<hbm>> -> memref<6272xf32, #tpu.memory_space<hbm>>
    tpu.enqueue_dma source(%dma_start3A_73 : memref<6272xf32, #tpu.memory_space<hbm>>) target(%arg15 : memref<6272xf32, #tpu.memory_space<vmem>>) target_semaphore(%arg24 : memref<!tpu.dma_semaphore, #tpu.memory_space<semaphore_mem>>)
    %mul3A_74 = arith.constant 3 : i32
    %mul3A_75 = arith.muli %select_n3A, %mul3A_74 : i32
    %add3A_76 = arith.constant 1 : i32
    %add3A_77 = arith.addi %mul3A_75, %add3A_76 : i32
    %mul3A_78 = arith.constant 50176 : i32
    %mul3A_79 = arith.muli %add3A_77, %mul3A_78 : i32
    %add3A_80 = arith.addi %mul3A_79, %mul3A_56 : i32
    %dma_start3A_81 = tpu.memref_slice %arg5[%add3A_80] : memref<602112xf32, #tpu.memory_space<hbm>> -> memref<6272xf32, #tpu.memory_space<hbm>>
    %dma_start3A_82 = tpu.memref_slice %arg5[%add3A_80] : memref<602112xf32, #tpu.memory_space<hbm>> -> memref<6272xf32, #tpu.memory_space<hbm>>
    tpu.enqueue_dma source(%dma_start3A_82 : memref<6272xf32, #tpu.memory_space<hbm>>) target(%arg16 : memref<6272xf32, #tpu.memory_space<vmem>>) target_semaphore(%arg24 : memref<!tpu.dma_semaphore, #tpu.memory_space<semaphore_mem>>)
    %mul3A_83 = arith.constant 3 : i32
    %mul3A_84 = arith.muli %select_n3A, %mul3A_83 : i32
    %add3A_85 = arith.constant 2 : i32
    %add3A_86 = arith.addi %mul3A_84, %add3A_85 : i32
    %mul3A_87 = arith.constant 50176 : i32
    %mul3A_88 = arith.muli %add3A_86, %mul3A_87 : i32
    %add3A_89 = arith.addi %mul3A_88, %mul3A_56 : i32
    %dma_start3A_90 = tpu.memref_slice %arg5[%add3A_89] : memref<602112xf32, #tpu.memory_space<hbm>> -> memref<6272xf32, #tpu.memory_space<hbm>>
    %dma_start3A_91 = tpu.memref_slice %arg5[%add3A_89] : memref<602112xf32, #tpu.memory_space<hbm>> -> memref<6272xf32, #tpu.memory_space<hbm>>
    tpu.enqueue_dma source(%dma_start3A_91 : memref<6272xf32, #tpu.memory_space<hbm>>) target(%arg17 : memref<6272xf32, #tpu.memory_space<vmem>>) target_semaphore(%arg24 : memref<!tpu.dma_semaphore, #tpu.memory_space<semaphore_mem>>)
    tpu.enqueue_dma source(%arg6 : memref<768xf32, #tpu.memory_space<hbm>>) target(%arg18 : memref<768xf32, #tpu.memory_space<vmem>>) target_semaphore(%arg24 : memref<!tpu.dma_semaphore, #tpu.memory_space<semaphore_mem>>)
    tpu.enqueue_dma source(%arg7 : memref<16384xf32, #tpu.memory_space<hbm>>) target(%arg19 : memref<16384xf32, #tpu.memory_space<vmem>>) target_semaphore(%arg24 : memref<!tpu.dma_semaphore, #tpu.memory_space<semaphore_mem>>)
    tpu.enqueue_dma source(%arg8 : memref<64x768xf32, #tpu.memory_space<hbm>>) target(%arg21 : memref<64x768xf32, #tpu.memory_space<vmem>>) target_semaphore(%arg24 : memref<!tpu.dma_semaphore, #tpu.memory_space<semaphore_mem>>)
    %dma_wait3A = tpu.memref_slice %arg2[%add3A_59] : memref<200704xi32, #tpu.memory_space<hbm>> -> memref<6272xi32, #tpu.memory_space<hbm>>
    %dma_wait3A_92 = tpu.memref_slice %arg2[%add3A_59] : memref<200704xi32, #tpu.memory_space<hbm>> -> memref<6272xi32, #tpu.memory_space<hbm>>
    tpu.wait_dma2 semaphore(%arg24 : memref<!tpu.dma_semaphore, #tpu.memory_space<semaphore_mem>>) src(%dma_wait3A_92 : memref<6272xi32, #tpu.memory_space<hbm>>) dst(%arg12 : memref<6272xi32, #tpu.memory_space<vmem>>)
    %dma_wait3A_93 = tpu.memref_slice %arg3[%mul3A_56] : memref<50176xi32, #tpu.memory_space<hbm>> -> memref<6272xi32, #tpu.memory_space<hbm>>
    %dma_wait3A_94 = tpu.memref_slice %arg3[%mul3A_56] : memref<50176xi32, #tpu.memory_space<hbm>> -> memref<6272xi32, #tpu.memory_space<hbm>>
    tpu.wait_dma2 semaphore(%arg24 : memref<!tpu.dma_semaphore, #tpu.memory_space<semaphore_mem>>) src(%dma_wait3A_94 : memref<6272xi32, #tpu.memory_space<hbm>>) dst(%arg13 : memref<6272xi32, #tpu.memory_space<vmem>>)
    %dma_wait3A_95 = tpu.memref_slice %arg4[%mul3A_56] : memref<50176xi32, #tpu.memory_space<hbm>> -> memref<6272xi32, #tpu.memory_space<hbm>>
    %dma_wait3A_96 = tpu.memref_slice %arg4[%mul3A_56] : memref<50176xi32, #tpu.memory_space<hbm>> -> memref<6272xi32, #tpu.memory_space<hbm>>
    tpu.wait_dma2 semaphore(%arg24 : memref<!tpu.dma_semaphore, #tpu.memory_space<semaphore_mem>>) src(%dma_wait3A_96 : memref<6272xi32, #tpu.memory_space<hbm>>) dst(%arg14 : memref<6272xi32, #tpu.memory_space<vmem>>)
    %dma_wait3A_97 = tpu.memref_slice %arg5[%add3A_71] : memref<602112xf32, #tpu.memory_space<hbm>> -> memref<6272xf32, #tpu.memory_space<hbm>>
    %dma_wait3A_98 = tpu.memref_slice %arg5[%add3A_71] : memref<602112xf32, #tpu.memory_space<hbm>> -> memref<6272xf32, #tpu.memory_space<hbm>>
    tpu.wait_dma2 semaphore(%arg24 : memref<!tpu.dma_semaphore, #tpu.memory_space<semaphore_mem>>) src(%dma_wait3A_98 : memref<6272xf32, #tpu.memory_space<hbm>>) dst(%arg15 : memref<6272xf32, #tpu.memory_space<vmem>>)
    %dma_wait3A_99 = tpu.memref_slice %arg5[%add3A_80] : memref<602112xf32, #tpu.memory_space<hbm>> -> memref<6272xf32, #tpu.memory_space<hbm>>
    %dma_wait3A_100 = tpu.memref_slice %arg5[%add3A_80] : memref<602112xf32, #tpu.memory_space<hbm>> -> memref<6272xf32, #tpu.memory_space<hbm>>
    tpu.wait_dma2 semaphore(%arg24 : memref<!tpu.dma_semaphore, #tpu.memory_space<semaphore_mem>>) src(%dma_wait3A_100 : memref<6272xf32, #tpu.memory_space<hbm>>) dst(%arg16 : memref<6272xf32, #tpu.memory_space<vmem>>)
    %dma_wait3A_101 = tpu.memref_slice %arg5[%add3A_89] : memref<602112xf32, #tpu.memory_space<hbm>> -> memref<6272xf32, #tpu.memory_space<hbm>>
    %dma_wait3A_102 = tpu.memref_slice %arg5[%add3A_89] : memref<602112xf32, #tpu.memory_space<hbm>> -> memref<6272xf32, #tpu.memory_space<hbm>>
    tpu.wait_dma2 semaphore(%arg24 : memref<!tpu.dma_semaphore, #tpu.memory_space<semaphore_mem>>) src(%dma_wait3A_102 : memref<6272xf32, #tpu.memory_space<hbm>>) dst(%arg17 : memref<6272xf32, #tpu.memory_space<vmem>>)
    tpu.wait_dma2 semaphore(%arg24 : memref<!tpu.dma_semaphore, #tpu.memory_space<semaphore_mem>>) src(%arg6 : memref<768xf32, #tpu.memory_space<hbm>>) dst(%arg18 : memref<768xf32, #tpu.memory_space<vmem>>)
    tpu.wait_dma2 semaphore(%arg24 : memref<!tpu.dma_semaphore, #tpu.memory_space<semaphore_mem>>) src(%arg7 : memref<16384xf32, #tpu.memory_space<hbm>>) dst(%arg19 : memref<16384xf32, #tpu.memory_space<vmem>>)
    tpu.wait_dma2 semaphore(%arg24 : memref<!tpu.dma_semaphore, #tpu.memory_space<semaphore_mem>>) src(%arg8 : memref<64x768xf32, #tpu.memory_space<hbm>>) dst(%arg21 : memref<64x768xf32, #tpu.memory_space<vmem>>)
    %scan3A = arith.constant 0 : i32
    %scan3A_103 = arith.constant 4 : i32
    %scan3A_104 = arith.addi %scan3A, %scan3A_103 : i32
    %scan3A_105 = arith.constant 1 : i32
    scf.for %scan3A_316 = %scan3A to %scan3A_104 step %scan3A_105  : i32 {
      %mul3A_317 = arith.constant 16 : i32
      %mul3A_318 = arith.muli %scan3A_316, %mul3A_317 : i32
      %add3A_319 = arith.constant 0 : i32
      %add3A_320 = arith.addi %add3A_319, %mul3A_318 : i32
      %broadcast_in_dim3A_321 = arith.constant 0.000000e+00 : f32
      %broadcast_in_dim3A_322 = vector.broadcast %broadcast_in_dim3A_321 : f32 to vector<16xf32>
      %swap3A = arith.index_cast %add3A_320 : i32 to index
      %swap3A_323 = tpu.vector_load %arg22[%swap3A] {strides = array<i32>} : memref<64xf32, #tpu.memory_space<vmem>>, vector<16xf32>,
      tpu.vector_store %arg22[%swap3A], %broadcast_in_dim3A_322 {strides = array<i32>} : memref<64xf32, #tpu.memory_space<vmem>>, vector<16xf32>,
    }
    %scan3A_106 = arith.constant 4 : i32
    %broadcast_in_dim3A = arith.constant 1.000000e+00 : f32
    %broadcast_in_dim3A_107 = vector.broadcast %broadcast_in_dim3A : f32 to vector<16xf32>
    %iota3A = tpu.iota {dimensions = array<i32: 0>} : vector<16xi32>
    %broadcast_in_dim3A_108 = arith.constant 0.000000e+00 : f32
    %broadcast_in_dim3A_109 = vector.broadcast %broadcast_in_dim3A_108 : f32 to vector<16xf32>
    %parallel_loop3A = arith.constant 0 : i32
    %parallel_loop3A_110 = arith.constant 6272 : i32
    %parallel_loop3A_111 = arith.constant 16 : i32
    scf.for %parallel_loop3A_316 = %parallel_loop3A to %parallel_loop3A_110 step %parallel_loop3A_111  : i32 {
      %parallel_loop3A_317 = arith.index_cast %parallel_loop3A_316 : i32 to index
      %parallel_loop3A_318 = tpu.vector_load %arg12[%parallel_loop3A_317] {strides = array<i32>} : memref<6272xi32, #tpu.memory_space<vmem>>, vector<16xi32>,
      %parallel_loop3A_319 = arith.index_cast %parallel_loop3A_316 : i32 to index
      %parallel_loop3A_320 = tpu.vector_load %arg13[%parallel_loop3A_319] {strides = array<i32>} : memref<6272xi32, #tpu.memory_space<vmem>>, vector<16xi32>,
      %parallel_loop3A_321 = arith.index_cast %parallel_loop3A_316 : i32 to index
      %parallel_loop3A_322 = tpu.vector_load %arg14[%parallel_loop3A_321] {strides = array<i32>} : memref<6272xi32, #tpu.memory_space<vmem>>, vector<16xi32>,
      %parallel_loop3A_323 = tpu.vector_load_idx %arg18[%parallel_loop3A_322] : memref<768xf32, #tpu.memory_space<vmem>>[vector<16xi32>], vector<16xf32>,
      %parallel_loop3A_324 = arith.constant 256 : i32
      %parallel_loop3A_325 = vector.broadcast %parallel_loop3A_324 : i32 to vector<16xi32>
      %parallel_loop3A_326 = arith.addi %parallel_loop3A_322, %parallel_loop3A_325 : vector<16xi32>
      %parallel_loop3A_327 = tpu.vector_load_idx %arg18[%parallel_loop3A_326] : memref<768xf32, #tpu.memory_space<vmem>>[vector<16xi32>], vector<16xf32>,
      %parallel_loop3A_328 = arith.constant 512 : i32
      %parallel_loop3A_329 = vector.broadcast %parallel_loop3A_328 : i32 to vector<16xi32>
      %parallel_loop3A_330 = arith.addi %parallel_loop3A_322, %parallel_loop3A_329 : vector<16xi32>
      %parallel_loop3A_331 = tpu.vector_load_idx %arg18[%parallel_loop3A_330] : memref<768xf32, #tpu.memory_space<vmem>>[vector<16xi32>], vector<16xf32>,
      %parallel_loop3A_332 = arith.index_cast %parallel_loop3A_316 : i32 to index
      %parallel_loop3A_333 = tpu.vector_load %arg15[%parallel_loop3A_332] {strides = array<i32>} : memref<6272xf32, #tpu.memory_space<vmem>>, vector<16xf32>,
      %parallel_loop3A_334 = arith.mulf %parallel_loop3A_333, %parallel_loop3A_323 : vector<16xf32>
      %parallel_loop3A_335 = arith.index_cast %parallel_loop3A_316 : i32 to index
      %parallel_loop3A_336 = tpu.vector_load %arg16[%parallel_loop3A_335] {strides = array<i32>} : memref<6272xf32, #tpu.memory_space<vmem>>, vector<16xf32>,
      %parallel_loop3A_337 = arith.mulf %parallel_loop3A_336, %parallel_loop3A_327 : vector<16xf32>
      %parallel_loop3A_338 = arith.addf %parallel_loop3A_334, %parallel_loop3A_337 : vector<16xf32>
      %parallel_loop3A_339 = arith.index_cast %parallel_loop3A_316 : i32 to index
      %parallel_loop3A_340 = tpu.vector_load %arg17[%parallel_loop3A_339] {strides = array<i32>} : memref<6272xf32, #tpu.memory_space<vmem>>, vector<16xf32>,
      %parallel_loop3A_341 = arith.mulf %parallel_loop3A_340, %parallel_loop3A_331 : vector<16xf32>
      %parallel_loop3A_342 = arith.addf %parallel_loop3A_338, %parallel_loop3A_341 : vector<16xf32>
      %parallel_loop3A_343 = arith.constant 256 : i32
      %parallel_loop3A_344 = vector.broadcast %parallel_loop3A_343 : i32 to vector<16xi32>
      %parallel_loop3A_345 = arith.muli %parallel_loop3A_318, %parallel_loop3A_344 : vector<16xi32>
      %parallel_loop3A_346 = arith.addi %parallel_loop3A_345, %parallel_loop3A_320 : vector<16xi32>
      tpu.vector_store_idx %arg19[%parallel_loop3A_346], %parallel_loop3A_342 {add = true} : memref<16384xf32, #tpu.memory_space<vmem>>[vector<16xi32>], vector<16xf32>,
      tpu.vector_store_idx %arg22[%parallel_loop3A_318], %broadcast_in_dim3A_107 : memref<64xf32, #tpu.memory_space<vmem>>[vector<16xi32>], vector<16xf32>,
    } {sc.loop_unroll_factor = 4 : i64, sc.parallel_access}
    %mul3A_112 = arith.constant 16384 : i32
    %mul3A_113 = arith.muli %add3A, %mul3A_112 : i32
    "tpu.region"() ({
      %run_scoped3A = tpu.sem_alloc : memref<!tpu.dma_semaphore, #tpu.memory_space<semaphore_mem>>
      %dma_start3A_316 = tpu.memref_slice %arg11[%mul3A_113] : memref<524288xf32, #tpu.memory_space<hbm>> -> memref<16384xf32, #tpu.memory_space<hbm>>
      %dma_start3A_317 = tpu.memref_slice %arg11[%mul3A_113] : memref<524288xf32, #tpu.memory_space<hbm>> -> memref<16384xf32, #tpu.memory_space<hbm>>
      tpu.enqueue_dma source(%arg19 : memref<16384xf32, #tpu.memory_space<vmem>>) target(%dma_start3A_317 : memref<16384xf32, #tpu.memory_space<hbm>>) target_semaphore(%run_scoped3A : memref<!tpu.dma_semaphore, #tpu.memory_space<semaphore_mem>>)
      %dma_wait3A_318 = tpu.memref_slice %arg11[%mul3A_113] : memref<524288xf32, #tpu.memory_space<hbm>> -> memref<16384xf32, #tpu.memory_space<hbm>>
      %dma_wait3A_319 = tpu.memref_slice %arg11[%mul3A_113] : memref<524288xf32, #tpu.memory_space<hbm>> -> memref<16384xf32, #tpu.memory_space<hbm>>
      tpu.wait_dma2 semaphore(%run_scoped3A : memref<!tpu.dma_semaphore, #tpu.memory_space<semaphore_mem>>) src(%arg19 : memref<16384xf32, #tpu.memory_space<vmem>>) dst(%dma_wait3A_319 : memref<16384xf32, #tpu.memory_space<hbm>>)
      tpu.yield
    }) : () -> ()
    %barrier3A = arith.constant 0 : index
    tpu.barrier barrier_id(%barrier3A)
    %mul3A_114 = arith.constant 8 : i32
    %mul3A_115 = arith.muli %select_n3A, %mul3A_114 : i32
    %le3A = arith.constant 0 : i32
    %le3A_116 = arith.cmpi sle, %select_n3A_30, %le3A : i32
    %jit3A_117 = arith.constant 1 : i32
    %jit3A_118 = arith.constant 0 : i32
    %select_n3A_119 = arith.select %le3A_116, %jit3A_117, %jit3A_118 : i32
    %add3A_120 = arith.addi %mul3A_115, %select_n3A_119 : i32
    %mul3A_121 = arith.constant 16384 : i32
    %mul3A_122 = arith.muli %add3A_120, %mul3A_121 : i32
    %mul3A_123 = arith.constant 2048 : i32
    %mul3A_124 = arith.muli %select_n3A_30, %mul3A_123 : i32
    %add3A_125 = arith.addi %mul3A_122, %mul3A_124 : i32
    %dma_start3A_126 = arith.constant 0 : i32
    %dma_start3A_127 = tpu.memref_slice %arg20[%dma_start3A_126] : memref<14336xf32, #tpu.memory_space<vmem>> -> memref<2048xf32, #tpu.memory_space<vmem>>
    %dma_start3A_128 = tpu.memref_slice %arg11[%add3A_125] : memref<524288xf32, #tpu.memory_space<hbm>> -> memref<2048xf32, #tpu.memory_space<hbm>>
    %dma_start3A_129 = arith.constant 0 : i32
    %dma_start3A_130 = tpu.memref_slice %arg20[%dma_start3A_129] : memref<14336xf32, #tpu.memory_space<vmem>> -> memref<2048xf32, #tpu.memory_space<vmem>>
    %dma_start3A_131 = tpu.memref_slice %arg11[%add3A_125] : memref<524288xf32, #tpu.memory_space<hbm>> -> memref<2048xf32, #tpu.memory_space<hbm>>
    tpu.enqueue_dma source(%dma_start3A_131 : memref<2048xf32, #tpu.memory_space<hbm>>) target(%dma_start3A_130 : memref<2048xf32, #tpu.memory_space<vmem>>) target_semaphore(%arg24 : memref<!tpu.dma_semaphore, #tpu.memory_space<semaphore_mem>>)
    %mul3A_132 = arith.constant 8 : i32
    %mul3A_133 = arith.muli %select_n3A, %mul3A_132 : i32
    %le3A_134 = arith.constant 1 : i32
    %le3A_135 = arith.cmpi sle, %select_n3A_30, %le3A_134 : i32
    %jit3A_136 = arith.constant 2 : i32
    %jit3A_137 = arith.constant 1 : i32
    %select_n3A_138 = arith.select %le3A_135, %jit3A_136, %jit3A_137 : i32
    %add3A_139 = arith.addi %mul3A_133, %select_n3A_138 : i32
    %mul3A_140 = arith.constant 16384 : i32
    %mul3A_141 = arith.muli %add3A_139, %mul3A_140 : i32
    %mul3A_142 = arith.constant 2048 : i32
    %mul3A_143 = arith.muli %select_n3A_30, %mul3A_142 : i32
    %add3A_144 = arith.addi %mul3A_141, %mul3A_143 : i32
    %dma_start3A_145 = arith.constant 2048 : i32
    %dma_start3A_146 = tpu.memref_slice %arg20[%dma_start3A_145] : memref<14336xf32, #tpu.memory_space<vmem>> -> memref<2048xf32, #tpu.memory_space<vmem>>
    %dma_start3A_147 = tpu.memref_slice %arg11[%add3A_144] : memref<524288xf32, #tpu.memory_space<hbm>> -> memref<2048xf32, #tpu.memory_space<hbm>>
    %dma_start3A_148 = arith.constant 2048 : i32
    %dma_start3A_149 = tpu.memref_slice %arg20[%dma_start3A_148] : memref<14336xf32, #tpu.memory_space<vmem>> -> memref<2048xf32, #tpu.memory_space<vmem>>
    %dma_start3A_150 = tpu.memref_slice %arg11[%add3A_144] : memref<524288xf32, #tpu.memory_space<hbm>> -> memref<2048xf32, #tpu.memory_space<hbm>>
    tpu.enqueue_dma source(%dma_start3A_150 : memref<2048xf32, #tpu.memory_space<hbm>>) target(%dma_start3A_149 : memref<2048xf32, #tpu.memory_space<vmem>>) target_semaphore(%arg24 : memref<!tpu.dma_semaphore, #tpu.memory_space<semaphore_mem>>)
    %mul3A_151 = arith.constant 8 : i32
    %mul3A_152 = arith.muli %select_n3A, %mul3A_151 : i32
    %le3A_153 = arith.constant 2 : i32
    %le3A_154 = arith.cmpi sle, %select_n3A_30, %le3A_153 : i32
    %jit3A_155 = arith.constant 3 : i32
    %jit3A_156 = arith.constant 2 : i32
    %select_n3A_157 = arith.select %le3A_154, %jit3A_155, %jit3A_156 : i32
    %add3A_158 = arith.addi %mul3A_152, %select_n3A_157 : i32
    %mul3A_159 = arith.constant 16384 : i32
    %mul3A_160 = arith.muli %add3A_158, %mul3A_159 : i32
    %mul3A_161 = arith.constant 2048 : i32
    %mul3A_162 = arith.muli %select_n3A_30, %mul3A_161 : i32
    %add3A_163 = arith.addi %mul3A_160, %mul3A_162 : i32
    %dma_start3A_164 = arith.constant 4096 : i32
    %dma_start3A_165 = tpu.memref_slice %arg20[%dma_start3A_164] : memref<14336xf32, #tpu.memory_space<vmem>> -> memref<2048xf32, #tpu.memory_space<vmem>>
    %dma_start3A_166 = tpu.memref_slice %arg11[%add3A_163] : memref<524288xf32, #tpu.memory_space<hbm>> -> memref<2048xf32, #tpu.memory_space<hbm>>
    %dma_start3A_167 = arith.constant 4096 : i32
    %dma_start3A_168 = tpu.memref_slice %arg20[%dma_start3A_167] : memref<14336xf32, #tpu.memory_space<vmem>> -> memref<2048xf32, #tpu.memory_space<vmem>>
    %dma_start3A_169 = tpu.memref_slice %arg11[%add3A_163] : memref<524288xf32, #tpu.memory_space<hbm>> -> memref<2048xf32, #tpu.memory_space<hbm>>
    tpu.enqueue_dma source(%dma_start3A_169 : memref<2048xf32, #tpu.memory_space<hbm>>) target(%dma_start3A_168 : memref<2048xf32, #tpu.memory_space<vmem>>) target_semaphore(%arg24 : memref<!tpu.dma_semaphore, #tpu.memory_space<semaphore_mem>>)
    %mul3A_170 = arith.constant 8 : i32
    %mul3A_171 = arith.muli %select_n3A, %mul3A_170 : i32
    %le3A_172 = arith.constant 3 : i32
    %le3A_173 = arith.cmpi sle, %select_n3A_30, %le3A_172 : i32
    %jit3A_174 = arith.constant 4 : i32
    %jit3A_175 = arith.constant 3 : i32
    %select_n3A_176 = arith.select %le3A_173, %jit3A_174, %jit3A_175 : i32
    %add3A_177 = arith.addi %mul3A_171, %select_n3A_176 : i32
    %mul3A_178 = arith.constant 16384 : i32
    %mul3A_179 = arith.muli %add3A_177, %mul3A_178 : i32
    %mul3A_180 = arith.constant 2048 : i32
    %mul3A_181 = arith.muli %select_n3A_30, %mul3A_180 : i32
    %add3A_182 = arith.addi %mul3A_179, %mul3A_181 : i32
    %dma_start3A_183 = arith.constant 6144 : i32
    %dma_start3A_184 = tpu.memref_slice %arg20[%dma_start3A_183] : memref<14336xf32, #tpu.memory_space<vmem>> -> memref<2048xf32, #tpu.memory_space<vmem>>
    %dma_start3A_185 = tpu.memref_slice %arg11[%add3A_182] : memref<524288xf32, #tpu.memory_space<hbm>> -> memref<2048xf32, #tpu.memory_space<hbm>>
    %dma_start3A_186 = arith.constant 6144 : i32
    %dma_start3A_187 = tpu.memref_slice %arg20[%dma_start3A_186] : memref<14336xf32, #tpu.memory_space<vmem>> -> memref<2048xf32, #tpu.memory_space<vmem>>
    %dma_start3A_188 = tpu.memref_slice %arg11[%add3A_182] : memref<524288xf32, #tpu.memory_space<hbm>> -> memref<2048xf32, #tpu.memory_space<hbm>>
    tpu.enqueue_dma source(%dma_start3A_188 : memref<2048xf32, #tpu.memory_space<hbm>>) target(%dma_start3A_187 : memref<2048xf32, #tpu.memory_space<vmem>>) target_semaphore(%arg24 : memref<!tpu.dma_semaphore, #tpu.memory_space<semaphore_mem>>)
    %mul3A_189 = arith.constant 8 : i32
    %mul3A_190 = arith.muli %select_n3A, %mul3A_189 : i32
    %le3A_191 = arith.constant 4 : i32
    %le3A_192 = arith.cmpi sle, %select_n3A_30, %le3A_191 : i32
    %jit3A_193 = arith.constant 5 : i32
    %jit3A_194 = arith.constant 4 : i32
    %select_n3A_195 = arith.select %le3A_192, %jit3A_193, %jit3A_194 : i32
    %add3A_196 = arith.addi %mul3A_190, %select_n3A_195 : i32
    %mul3A_197 = arith.constant 16384 : i32
    %mul3A_198 = arith.muli %add3A_196, %mul3A_197 : i32
    %mul3A_199 = arith.constant 2048 : i32
    %mul3A_200 = arith.muli %select_n3A_30, %mul3A_199 : i32
    %add3A_201 = arith.addi %mul3A_198, %mul3A_200 : i32
    %dma_start3A_202 = arith.constant 8192 : i32
    %dma_start3A_203 = tpu.memref_slice %arg20[%dma_start3A_202] : memref<14336xf32, #tpu.memory_space<vmem>> -> memref<2048xf32, #tpu.memory_space<vmem>>
    %dma_start3A_204 = tpu.memref_slice %arg11[%add3A_201] : memref<524288xf32, #tpu.memory_space<hbm>> -> memref<2048xf32, #tpu.memory_space<hbm>>
    %dma_start3A_205 = arith.constant 8192 : i32
    %dma_start3A_206 = tpu.memref_slice %arg20[%dma_start3A_205] : memref<14336xf32, #tpu.memory_space<vmem>> -> memref<2048xf32, #tpu.memory_space<vmem>>
    %dma_start3A_207 = tpu.memref_slice %arg11[%add3A_201] : memref<524288xf32, #tpu.memory_space<hbm>> -> memref<2048xf32, #tpu.memory_space<hbm>>
    tpu.enqueue_dma source(%dma_start3A_207 : memref<2048xf32, #tpu.memory_space<hbm>>) target(%dma_start3A_206 : memref<2048xf32, #tpu.memory_space<vmem>>) target_semaphore(%arg24 : memref<!tpu.dma_semaphore, #tpu.memory_space<semaphore_mem>>)
    %mul3A_208 = arith.constant 8 : i32
    %mul3A_209 = arith.muli %select_n3A, %mul3A_208 : i32
    %le3A_210 = arith.constant 5 : i32
    %le3A_211 = arith.cmpi sle, %select_n3A_30, %le3A_210 : i32
    %jit3A_212 = arith.constant 6 : i32
    %jit3A_213 = arith.constant 5 : i32
    %select_n3A_214 = arith.select %le3A_211, %jit3A_212, %jit3A_213 : i32
    %add3A_215 = arith.addi %mul3A_209, %select_n3A_214 : i32
    %mul3A_216 = arith.constant 16384 : i32
    %mul3A_217 = arith.muli %add3A_215, %mul3A_216 : i32
    %mul3A_218 = arith.constant 2048 : i32
    %mul3A_219 = arith.muli %select_n3A_30, %mul3A_218 : i32
    %add3A_220 = arith.addi %mul3A_217, %mul3A_219 : i32
    %dma_start3A_221 = arith.constant 10240 : i32
    %dma_start3A_222 = tpu.memref_slice %arg20[%dma_start3A_221] : memref<14336xf32, #tpu.memory_space<vmem>> -> memref<2048xf32, #tpu.memory_space<vmem>>
    %dma_start3A_223 = tpu.memref_slice %arg11[%add3A_220] : memref<524288xf32, #tpu.memory_space<hbm>> -> memref<2048xf32, #tpu.memory_space<hbm>>
    %dma_start3A_224 = arith.constant 10240 : i32
    %dma_start3A_225 = tpu.memref_slice %arg20[%dma_start3A_224] : memref<14336xf32, #tpu.memory_space<vmem>> -> memref<2048xf32, #tpu.memory_space<vmem>>
    %dma_start3A_226 = tpu.memref_slice %arg11[%add3A_220] : memref<524288xf32, #tpu.memory_space<hbm>> -> memref<2048xf32, #tpu.memory_space<hbm>>
    tpu.enqueue_dma source(%dma_start3A_226 : memref<2048xf32, #tpu.memory_space<hbm>>) target(%dma_start3A_225 : memref<2048xf32, #tpu.memory_space<vmem>>) target_semaphore(%arg24 : memref<!tpu.dma_semaphore, #tpu.memory_space<semaphore_mem>>)
    %mul3A_227 = arith.constant 8 : i32
    %mul3A_228 = arith.muli %select_n3A, %mul3A_227 : i32
    %le3A_229 = arith.constant 6 : i32
    %le3A_230 = arith.cmpi sle, %select_n3A_30, %le3A_229 : i32
    %jit3A_231 = arith.constant 7 : i32
    %jit3A_232 = arith.constant 6 : i32
    %select_n3A_233 = arith.select %le3A_230, %jit3A_231, %jit3A_232 : i32
    %add3A_234 = arith.addi %mul3A_228, %select_n3A_233 : i32
    %mul3A_235 = arith.constant 16384 : i32
    %mul3A_236 = arith.muli %add3A_234, %mul3A_235 : i32
    %mul3A_237 = arith.constant 2048 : i32
    %mul3A_238 = arith.muli %select_n3A_30, %mul3A_237 : i32
    %add3A_239 = arith.addi %mul3A_236, %mul3A_238 : i32
    %dma_start3A_240 = arith.constant 12288 : i32
    %dma_start3A_241 = tpu.memref_slice %arg20[%dma_start3A_240] : memref<14336xf32, #tpu.memory_space<vmem>> -> memref<2048xf32, #tpu.memory_space<vmem>>
    %dma_start3A_242 = tpu.memref_slice %arg11[%add3A_239] : memref<524288xf32, #tpu.memory_space<hbm>> -> memref<2048xf32, #tpu.memory_space<hbm>>
    %dma_start3A_243 = arith.constant 12288 : i32
    %dma_start3A_244 = tpu.memref_slice %arg20[%dma_start3A_243] : memref<14336xf32, #tpu.memory_space<vmem>> -> memref<2048xf32, #tpu.memory_space<vmem>>
    %dma_start3A_245 = tpu.memref_slice %arg11[%add3A_239] : memref<524288xf32, #tpu.memory_space<hbm>> -> memref<2048xf32, #tpu.memory_space<hbm>>
    tpu.enqueue_dma source(%dma_start3A_245 : memref<2048xf32, #tpu.memory_space<hbm>>) target(%dma_start3A_244 : memref<2048xf32, #tpu.memory_space<vmem>>) target_semaphore(%arg24 : memref<!tpu.dma_semaphore, #tpu.memory_space<semaphore_mem>>)
    %dma_wait3A_246 = arith.constant 0 : i32
    %dma_wait3A_247 = tpu.memref_slice %arg20[%dma_wait3A_246] : memref<14336xf32, #tpu.memory_space<vmem>> -> memref<2048xf32, #tpu.memory_space<vmem>>
    %dma_wait3A_248 = tpu.memref_slice %arg11[%add3A_125] : memref<524288xf32, #tpu.memory_space<hbm>> -> memref<2048xf32, #tpu.memory_space<hbm>>
    %dma_wait3A_249 = arith.constant 0 : i32
    %dma_wait3A_250 = tpu.memref_slice %arg20[%dma_wait3A_249] : memref<14336xf32, #tpu.memory_space<vmem>> -> memref<2048xf32, #tpu.memory_space<vmem>>
    %dma_wait3A_251 = tpu.memref_slice %arg11[%add3A_125] : memref<524288xf32, #tpu.memory_space<hbm>> -> memref<2048xf32, #tpu.memory_space<hbm>>
    tpu.wait_dma2 semaphore(%arg24 : memref<!tpu.dma_semaphore, #tpu.memory_space<semaphore_mem>>) src(%dma_wait3A_251 : memref<2048xf32, #tpu.memory_space<hbm>>) dst(%dma_wait3A_250 : memref<2048xf32, #tpu.memory_space<vmem>>)
    %dma_wait3A_252 = arith.constant 2048 : i32
    %dma_wait3A_253 = tpu.memref_slice %arg20[%dma_wait3A_252] : memref<14336xf32, #tpu.memory_space<vmem>> -> memref<2048xf32, #tpu.memory_space<vmem>>
    %dma_wait3A_254 = tpu.memref_slice %arg11[%add3A_144] : memref<524288xf32, #tpu.memory_space<hbm>> -> memref<2048xf32, #tpu.memory_space<hbm>>
    %dma_wait3A_255 = arith.constant 2048 : i32
    %dma_wait3A_256 = tpu.memref_slice %arg20[%dma_wait3A_255] : memref<14336xf32, #tpu.memory_space<vmem>> -> memref<2048xf32, #tpu.memory_space<vmem>>
    %dma_wait3A_257 = tpu.memref_slice %arg11[%add3A_144] : memref<524288xf32, #tpu.memory_space<hbm>> -> memref<2048xf32, #tpu.memory_space<hbm>>
    tpu.wait_dma2 semaphore(%arg24 : memref<!tpu.dma_semaphore, #tpu.memory_space<semaphore_mem>>) src(%dma_wait3A_257 : memref<2048xf32, #tpu.memory_space<hbm>>) dst(%dma_wait3A_256 : memref<2048xf32, #tpu.memory_space<vmem>>)
    %dma_wait3A_258 = arith.constant 4096 : i32
    %dma_wait3A_259 = tpu.memref_slice %arg20[%dma_wait3A_258] : memref<14336xf32, #tpu.memory_space<vmem>> -> memref<2048xf32, #tpu.memory_space<vmem>>
    %dma_wait3A_260 = tpu.memref_slice %arg11[%add3A_163] : memref<524288xf32, #tpu.memory_space<hbm>> -> memref<2048xf32, #tpu.memory_space<hbm>>
    %dma_wait3A_261 = arith.constant 4096 : i32
    %dma_wait3A_262 = tpu.memref_slice %arg20[%dma_wait3A_261] : memref<14336xf32, #tpu.memory_space<vmem>> -> memref<2048xf32, #tpu.memory_space<vmem>>
    %dma_wait3A_263 = tpu.memref_slice %arg11[%add3A_163] : memref<524288xf32, #tpu.memory_space<hbm>> -> memref<2048xf32, #tpu.memory_space<hbm>>
    tpu.wait_dma2 semaphore(%arg24 : memref<!tpu.dma_semaphore, #tpu.memory_space<semaphore_mem>>) src(%dma_wait3A_263 : memref<2048xf32, #tpu.memory_space<hbm>>) dst(%dma_wait3A_262 : memref<2048xf32, #tpu.memory_space<vmem>>)
    %dma_wait3A_264 = arith.constant 6144 : i32
    %dma_wait3A_265 = tpu.memref_slice %arg20[%dma_wait3A_264] : memref<14336xf32, #tpu.memory_space<vmem>> -> memref<2048xf32, #tpu.memory_space<vmem>>
    %dma_wait3A_266 = tpu.memref_slice %arg11[%add3A_182] : memref<524288xf32, #tpu.memory_space<hbm>> -> memref<2048xf32, #tpu.memory_space<hbm>>
    %dma_wait3A_267 = arith.constant 6144 : i32
    %dma_wait3A_268 = tpu.memref_slice %arg20[%dma_wait3A_267] : memref<14336xf32, #tpu.memory_space<vmem>> -> memref<2048xf32, #tpu.memory_space<vmem>>
    %dma_wait3A_269 = tpu.memref_slice %arg11[%add3A_182] : memref<524288xf32, #tpu.memory_space<hbm>> -> memref<2048xf32, #tpu.memory_space<hbm>>
    tpu.wait_dma2 semaphore(%arg24 : memref<!tpu.dma_semaphore, #tpu.memory_space<semaphore_mem>>) src(%dma_wait3A_269 : memref<2048xf32, #tpu.memory_space<hbm>>) dst(%dma_wait3A_268 : memref<2048xf32, #tpu.memory_space<vmem>>)
    %dma_wait3A_270 = arith.constant 8192 : i32
    %dma_wait3A_271 = tpu.memref_slice %arg20[%dma_wait3A_270] : memref<14336xf32, #tpu.memory_space<vmem>> -> memref<2048xf32, #tpu.memory_space<vmem>>
    %dma_wait3A_272 = tpu.memref_slice %arg11[%add3A_201] : memref<524288xf32, #tpu.memory_space<hbm>> -> memref<2048xf32, #tpu.memory_space<hbm>>
    %dma_wait3A_273 = arith.constant 8192 : i32
    %dma_wait3A_274 = tpu.memref_slice %arg20[%dma_wait3A_273] : memref<14336xf32, #tpu.memory_space<vmem>> -> memref<2048xf32, #tpu.memory_space<vmem>>
    %dma_wait3A_275 = tpu.memref_slice %arg11[%add3A_201] : memref<524288xf32, #tpu.memory_space<hbm>> -> memref<2048xf32, #tpu.memory_space<hbm>>
    tpu.wait_dma2 semaphore(%arg24 : memref<!tpu.dma_semaphore, #tpu.memory_space<semaphore_mem>>) src(%dma_wait3A_275 : memref<2048xf32, #tpu.memory_space<hbm>>) dst(%dma_wait3A_274 : memref<2048xf32, #tpu.memory_space<vmem>>)
    %dma_wait3A_276 = arith.constant 10240 : i32
    %dma_wait3A_277 = tpu.memref_slice %arg20[%dma_wait3A_276] : memref<14336xf32, #tpu.memory_space<vmem>> -> memref<2048xf32, #tpu.memory_space<vmem>>
    %dma_wait3A_278 = tpu.memref_slice %arg11[%add3A_220] : memref<524288xf32, #tpu.memory_space<hbm>> -> memref<2048xf32, #tpu.memory_space<hbm>>
    %dma_wait3A_279 = arith.constant 10240 : i32
    %dma_wait3A_280 = tpu.memref_slice %arg20[%dma_wait3A_279] : memref<14336xf32, #tpu.memory_space<vmem>> -> memref<2048xf32, #tpu.memory_space<vmem>>
    %dma_wait3A_281 = tpu.memref_slice %arg11[%add3A_220] : memref<524288xf32, #tpu.memory_space<hbm>> -> memref<2048xf32, #tpu.memory_space<hbm>>
    tpu.wait_dma2 semaphore(%arg24 : memref<!tpu.dma_semaphore, #tpu.memory_space<semaphore_mem>>) src(%dma_wait3A_281 : memref<2048xf32, #tpu.memory_space<hbm>>) dst(%dma_wait3A_280 : memref<2048xf32, #tpu.memory_space<vmem>>)
    %dma_wait3A_282 = arith.constant 12288 : i32
    %dma_wait3A_283 = tpu.memref_slice %arg20[%dma_wait3A_282] : memref<14336xf32, #tpu.memory_space<vmem>> -> memref<2048xf32, #tpu.memory_space<vmem>>
    %dma_wait3A_284 = tpu.memref_slice %arg11[%add3A_239] : memref<524288xf32, #tpu.memory_space<hbm>> -> memref<2048xf32, #tpu.memory_space<hbm>>
    %dma_wait3A_285 = arith.constant 12288 : i32
    %dma_wait3A_286 = tpu.memref_slice %arg20[%dma_wait3A_285] : memref<14336xf32, #tpu.memory_space<vmem>> -> memref<2048xf32, #tpu.memory_space<vmem>>
    %dma_wait3A_287 = tpu.memref_slice %arg11[%add3A_239] : memref<524288xf32, #tpu.memory_space<hbm>> -> memref<2048xf32, #tpu.memory_space<hbm>>
    tpu.wait_dma2 semaphore(%arg24 : memref<!tpu.dma_semaphore, #tpu.memory_space<semaphore_mem>>) src(%dma_wait3A_287 : memref<2048xf32, #tpu.memory_space<hbm>>) dst(%dma_wait3A_286 : memref<2048xf32, #tpu.memory_space<vmem>>)
    %scan3A_288 = arith.constant 0 : i32
    %scan3A_289 = arith.constant 32 : i32
    %scan3A_290 = arith.addi %scan3A_288, %scan3A_289 : i32
    %scan3A_291 = arith.constant 1 : i32
    scf.for %scan3A_316 = %scan3A_288 to %scan3A_290 step %scan3A_291  : i32 {
      %mul3A_317 = arith.constant 64 : i32
      %mul3A_318 = arith.muli %scan3A_316, %mul3A_317 : i32
      %add3A_319 = arith.constant 0 : i32
      %add3A_320 = arith.addi %add3A_319, %mul3A_318 : i32
      %mul3A_321 = arith.constant 2048 : i32
      %mul3A_322 = arith.muli %select_n3A_30, %mul3A_321 : i32
      %add3A_323 = arith.addi %mul3A_322, %add3A_320 : i32
      %add3A_324 = arith.constant 0 : i32
      %add3A_325 = arith.addi %add3A_323, %add3A_324 : i32
      %get3A = arith.index_cast %add3A_325 : i32 to index
      %get3A_326 = tpu.vector_load %arg19[%get3A] {strides = array<i32>} : memref<16384xf32, #tpu.memory_space<vmem>>, vector<16xf32>,
      %add3A_327 = arith.constant 0 : i32
      %add3A_328 = arith.addi %add3A_327, %add3A_320 : i32
      %add3A_329 = arith.constant 0 : i32
      %add3A_330 = arith.addi %add3A_328, %add3A_329 : i32
      %get3A_331 = arith.index_cast %add3A_330 : i32 to index
      %get3A_332 = tpu.vector_load %arg20[%get3A_331] {strides = array<i32>} : memref<14336xf32, #tpu.memory_space<vmem>>, vector<16xf32>,
      %add3A_333 = arith.addf %get3A_326, %get3A_332 : vector<16xf32>
      %add3A_334 = arith.constant 2048 : i32
      %add3A_335 = arith.addi %add3A_334, %add3A_320 : i32
      %add3A_336 = arith.constant 0 : i32
      %add3A_337 = arith.addi %add3A_335, %add3A_336 : i32
      %get3A_338 = arith.index_cast %add3A_337 : i32 to index
      %get3A_339 = tpu.vector_load %arg20[%get3A_338] {strides = array<i32>} : memref<14336xf32, #tpu.memory_space<vmem>>, vector<16xf32>,
      %add3A_340 = arith.addf %add3A_333, %get3A_339 : vector<16xf32>
      %add3A_341 = arith.constant 4096 : i32
      %add3A_342 = arith.addi %add3A_341, %add3A_320 : i32
      %add3A_343 = arith.constant 0 : i32
      %add3A_344 = arith.addi %add3A_342, %add3A_343 : i32
      %get3A_345 = arith.index_cast %add3A_344 : i32 to index
      %get3A_346 = tpu.vector_load %arg20[%get3A_345] {strides = array<i32>} : memref<14336xf32, #tpu.memory_space<vmem>>, vector<16xf32>,
      %add3A_347 = arith.addf %add3A_340, %get3A_346 : vector<16xf32>
      %add3A_348 = arith.constant 6144 : i32
      %add3A_349 = arith.addi %add3A_348, %add3A_320 : i32
      %add3A_350 = arith.constant 0 : i32
      %add3A_351 = arith.addi %add3A_349, %add3A_350 : i32
      %get3A_352 = arith.index_cast %add3A_351 : i32 to index
      %get3A_353 = tpu.vector_load %arg20[%get3A_352] {strides = array<i32>} : memref<14336xf32, #tpu.memory_space<vmem>>, vector<16xf32>,
      %add3A_354 = arith.addf %add3A_347, %get3A_353 : vector<16xf32>
      %add3A_355 = arith.constant 8192 : i32
      %add3A_356 = arith.addi %add3A_355, %add3A_320 : i32
      %add3A_357 = arith.constant 0 : i32
      %add3A_358 = arith.addi %add3A_356, %add3A_357 : i32
      %get3A_359 = arith.index_cast %add3A_358 : i32 to index
      %get3A_360 = tpu.vector_load %arg20[%get3A_359] {strides = array<i32>} : memref<14336xf32, #tpu.memory_space<vmem>>, vector<16xf32>,
      %add3A_361 = arith.addf %add3A_354, %get3A_360 : vector<16xf32>
      %add3A_362 = arith.constant 10240 : i32
      %add3A_363 = arith.addi %add3A_362, %add3A_320 : i32
      %add3A_364 = arith.constant 0 : i32
      %add3A_365 = arith.addi %add3A_363, %add3A_364 : i32
      %get3A_366 = arith.index_cast %add3A_365 : i32 to index
      %get3A_367 = tpu.vector_load %arg20[%get3A_366] {strides = array<i32>} : memref<14336xf32, #tpu.memory_space<vmem>>, vector<16xf32>,
      %add3A_368 = arith.addf %add3A_361, %get3A_367 : vector<16xf32>
      %add3A_369 = arith.constant 12288 : i32
      %add3A_370 = arith.addi %add3A_369, %add3A_320 : i32
      %add3A_371 = arith.constant 0 : i32
      %add3A_372 = arith.addi %add3A_370, %add3A_371 : i32
      %get3A_373 = arith.index_cast %add3A_372 : i32 to index
      %get3A_374 = tpu.vector_load %arg20[%get3A_373] {strides = array<i32>} : memref<14336xf32, #tpu.memory_space<vmem>>, vector<16xf32>,
      %add3A_375 = arith.addf %add3A_368, %get3A_374 : vector<16xf32>
      %swap3A = arith.index_cast %add3A_325 : i32 to index
      %swap3A_376 = tpu.vector_load %arg19[%swap3A] {strides = array<i32>} : memref<16384xf32, #tpu.memory_space<vmem>>, vector<16xf32>,
      tpu.vector_store %arg19[%swap3A], %add3A_375 {strides = array<i32>} : memref<16384xf32, #tpu.memory_space<vmem>>, vector<16xf32>,
      %mul3A_377 = arith.constant 2048 : i32
      %mul3A_378 = arith.muli %select_n3A_30, %mul3A_377 : i32
      %add3A_379 = arith.addi %mul3A_378, %add3A_320 : i32
      %add3A_380 = arith.constant 16 : i32
      %add3A_381 = arith.addi %add3A_379, %add3A_380 : i32
      %get3A_382 = arith.index_cast %add3A_381 : i32 to index
      %get3A_383 = tpu.vector_load %arg19[%get3A_382] {strides = array<i32>} : memref<16384xf32, #tpu.memory_space<vmem>>, vector<16xf32>,
      %add3A_384 = arith.constant 0 : i32
      %add3A_385 = arith.addi %add3A_384, %add3A_320 : i32
      %add3A_386 = arith.constant 16 : i32
      %add3A_387 = arith.addi %add3A_385, %add3A_386 : i32
      %get3A_388 = arith.index_cast %add3A_387 : i32 to index
      %get3A_389 = tpu.vector_load %arg20[%get3A_388] {strides = array<i32>} : memref<14336xf32, #tpu.memory_space<vmem>>, vector<16xf32>,
      %add3A_390 = arith.addf %get3A_383, %get3A_389 : vector<16xf32>
      %add3A_391 = arith.constant 2048 : i32
      %add3A_392 = arith.addi %add3A_391, %add3A_320 : i32
      %add3A_393 = arith.constant 16 : i32
      %add3A_394 = arith.addi %add3A_392, %add3A_393 : i32
      %get3A_395 = arith.index_cast %add3A_394 : i32 to index
      %get3A_396 = tpu.vector_load %arg20[%get3A_395] {strides = array<i32>} : memref<14336xf32, #tpu.memory_space<vmem>>, vector<16xf32>,
      %add3A_397 = arith.addf %add3A_390, %get3A_396 : vector<16xf32>
      %add3A_398 = arith.constant 4096 : i32
      %add3A_399 = arith.addi %add3A_398, %add3A_320 : i32
      %add3A_400 = arith.constant 16 : i32
      %add3A_401 = arith.addi %add3A_399, %add3A_400 : i32
      %get3A_402 = arith.index_cast %add3A_401 : i32 to index
      %get3A_403 = tpu.vector_load %arg20[%get3A_402] {strides = array<i32>} : memref<14336xf32, #tpu.memory_space<vmem>>, vector<16xf32>,
      %add3A_404 = arith.addf %add3A_397, %get3A_403 : vector<16xf32>
      %add3A_405 = arith.constant 6144 : i32
      %add3A_406 = arith.addi %add3A_405, %add3A_320 : i32
      %add3A_407 = arith.constant 16 : i32
      %add3A_408 = arith.addi %add3A_406, %add3A_407 : i32
      %get3A_409 = arith.index_cast %add3A_408 : i32 to index
      %get3A_410 = tpu.vector_load %arg20[%get3A_409] {strides = array<i32>} : memref<14336xf32, #tpu.memory_space<vmem>>, vector<16xf32>,
      %add3A_411 = arith.addf %add3A_404, %get3A_410 : vector<16xf32>
      %add3A_412 = arith.constant 8192 : i32
      %add3A_413 = arith.addi %add3A_412, %add3A_320 : i32
      %add3A_414 = arith.constant 16 : i32
      %add3A_415 = arith.addi %add3A_413, %add3A_414 : i32
      %get3A_416 = arith.index_cast %add3A_415 : i32 to index
      %get3A_417 = tpu.vector_load %arg20[%get3A_416] {strides = array<i32>} : memref<14336xf32, #tpu.memory_space<vmem>>, vector<16xf32>,
      %add3A_418 = arith.addf %add3A_411, %get3A_417 : vector<16xf32>
      %add3A_419 = arith.constant 10240 : i32
      %add3A_420 = arith.addi %add3A_419, %add3A_320 : i32
      %add3A_421 = arith.constant 16 : i32
      %add3A_422 = arith.addi %add3A_420, %add3A_421 : i32
      %get3A_423 = arith.index_cast %add3A_422 : i32 to index
      %get3A_424 = tpu.vector_load %arg20[%get3A_423] {strides = array<i32>} : memref<14336xf32, #tpu.memory_space<vmem>>, vector<16xf32>,
      %add3A_425 = arith.addf %add3A_418, %get3A_424 : vector<16xf32>
      %add3A_426 = arith.constant 12288 : i32
      %add3A_427 = arith.addi %add3A_426, %add3A_320 : i32
      %add3A_428 = arith.constant 16 : i32
      %add3A_429 = arith.addi %add3A_427, %add3A_428 : i32
      %get3A_430 = arith.index_cast %add3A_429 : i32 to index
      %get3A_431 = tpu.vector_load %arg20[%get3A_430] {strides = array<i32>} : memref<14336xf32, #tpu.memory_space<vmem>>, vector<16xf32>,
      %add3A_432 = arith.addf %add3A_425, %get3A_431 : vector<16xf32>
      %swap3A_433 = arith.index_cast %add3A_381 : i32 to index
      %swap3A_434 = tpu.vector_load %arg19[%swap3A_433] {strides = array<i32>} : memref<16384xf32, #tpu.memory_space<vmem>>, vector<16xf32>,
      tpu.vector_store %arg19[%swap3A_433], %add3A_432 {strides = array<i32>} : memref<16384xf32, #tpu.memory_space<vmem>>, vector<16xf32>,
      %mul3A_435 = arith.constant 2048 : i32
      %mul3A_436 = arith.muli %select_n3A_30, %mul3A_435 : i32
      %add3A_437 = arith.addi %mul3A_436, %add3A_320 : i32
      %add3A_438 = arith.constant 32 : i32
      %add3A_439 = arith.addi %add3A_437, %add3A_438 : i32
      %get3A_440 = arith.index_cast %add3A_439 : i32 to index
      %get3A_441 = tpu.vector_load %arg19[%get3A_440] {strides = array<i32>} : memref<16384xf32, #tpu.memory_space<vmem>>, vector<16xf32>,
      %add3A_442 = arith.constant 0 : i32
      %add3A_443 = arith.addi %add3A_442, %add3A_320 : i32
      %add3A_444 = arith.constant 32 : i32
      %add3A_445 = arith.addi %add3A_443, %add3A_444 : i32
      %get3A_446 = arith.index_cast %add3A_445 : i32 to index
      %get3A_447 = tpu.vector_load %arg20[%get3A_446] {strides = array<i32>} : memref<14336xf32, #tpu.memory_space<vmem>>, vector<16xf32>,
      %add3A_448 = arith.addf %get3A_441, %get3A_447 : vector<16xf32>
      %add3A_449 = arith.constant 2048 : i32
      %add3A_450 = arith.addi %add3A_449, %add3A_320 : i32
      %add3A_451 = arith.constant 32 : i32
      %add3A_452 = arith.addi %add3A_450, %add3A_451 : i32
      %get3A_453 = arith.index_cast %add3A_452 : i32 to index
      %get3A_454 = tpu.vector_load %arg20[%get3A_453] {strides = array<i32>} : memref<14336xf32, #tpu.memory_space<vmem>>, vector<16xf32>,
      %add3A_455 = arith.addf %add3A_448, %get3A_454 : vector<16xf32>
      %add3A_456 = arith.constant 4096 : i32
      %add3A_457 = arith.addi %add3A_456, %add3A_320 : i32
      %add3A_458 = arith.constant 32 : i32
      %add3A_459 = arith.addi %add3A_457, %add3A_458 : i32
      %get3A_460 = arith.index_cast %add3A_459 : i32 to index
      %get3A_461 = tpu.vector_load %arg20[%get3A_460] {strides = array<i32>} : memref<14336xf32, #tpu.memory_space<vmem>>, vector<16xf32>,
      %add3A_462 = arith.addf %add3A_455, %get3A_461 : vector<16xf32>
      %add3A_463 = arith.constant 6144 : i32
      %add3A_464 = arith.addi %add3A_463, %add3A_320 : i32
      %add3A_465 = arith.constant 32 : i32
      %add3A_466 = arith.addi %add3A_464, %add3A_465 : i32
      %get3A_467 = arith.index_cast %add3A_466 : i32 to index
      %get3A_468 = tpu.vector_load %arg20[%get3A_467] {strides = array<i32>} : memref<14336xf32, #tpu.memory_space<vmem>>, vector<16xf32>,
      %add3A_469 = arith.addf %add3A_462, %get3A_468 : vector<16xf32>
      %add3A_470 = arith.constant 8192 : i32
      %add3A_471 = arith.addi %add3A_470, %add3A_320 : i32
      %add3A_472 = arith.constant 32 : i32
      %add3A_473 = arith.addi %add3A_471, %add3A_472 : i32
      %get3A_474 = arith.index_cast %add3A_473 : i32 to index
      %get3A_475 = tpu.vector_load %arg20[%get3A_474] {strides = array<i32>} : memref<14336xf32, #tpu.memory_space<vmem>>, vector<16xf32>,
      %add3A_476 = arith.addf %add3A_469, %get3A_475 : vector<16xf32>
      %add3A_477 = arith.constant 10240 : i32
      %add3A_478 = arith.addi %add3A_477, %add3A_320 : i32
      %add3A_479 = arith.constant 32 : i32
      %add3A_480 = arith.addi %add3A_478, %add3A_479 : i32
      %get3A_481 = arith.index_cast %add3A_480 : i32 to index
      %get3A_482 = tpu.vector_load %arg20[%get3A_481] {strides = array<i32>} : memref<14336xf32, #tpu.memory_space<vmem>>, vector<16xf32>,
      %add3A_483 = arith.addf %add3A_476, %get3A_482 : vector<16xf32>
      %add3A_484 = arith.constant 12288 : i32
      %add3A_485 = arith.addi %add3A_484, %add3A_320 : i32
      %add3A_486 = arith.constant 32 : i32
      %add3A_487 = arith.addi %add3A_485, %add3A_486 : i32
      %get3A_488 = arith.index_cast %add3A_487 : i32 to index
      %get3A_489 = tpu.vector_load %arg20[%get3A_488] {strides = array<i32>} : memref<14336xf32, #tpu.memory_space<vmem>>, vector<16xf32>,
      %add3A_490 = arith.addf %add3A_483, %get3A_489 : vector<16xf32>
      %swap3A_491 = arith.index_cast %add3A_439 : i32 to index
      %swap3A_492 = tpu.vector_load %arg19[%swap3A_491] {strides = array<i32>} : memref<16384xf32, #tpu.memory_space<vmem>>, vector<16xf32>,
      tpu.vector_store %arg19[%swap3A_491], %add3A_490 {strides = array<i32>} : memref<16384xf32, #tpu.memory_space<vmem>>, vector<16xf32>,
      %mul3A_493 = arith.constant 2048 : i32
      %mul3A_494 = arith.muli %select_n3A_30, %mul3A_493 : i32
      %add3A_495 = arith.addi %mul3A_494, %add3A_320 : i32
      %add3A_496 = arith.constant 48 : i32
      %add3A_497 = arith.addi %add3A_495, %add3A_496 : i32
      %get3A_498 = arith.index_cast %add3A_497 : i32 to index
      %get3A_499 = tpu.vector_load %arg19[%get3A_498] {strides = array<i32>} : memref<16384xf32, #tpu.memory_space<vmem>>, vector<16xf32>,
      %add3A_500 = arith.constant 0 : i32
      %add3A_501 = arith.addi %add3A_500, %add3A_320 : i32
      %add3A_502 = arith.constant 48 : i32
      %add3A_503 = arith.addi %add3A_501, %add3A_502 : i32
      %get3A_504 = arith.index_cast %add3A_503 : i32 to index
      %get3A_505 = tpu.vector_load %arg20[%get3A_504] {strides = array<i32>} : memref<14336xf32, #tpu.memory_space<vmem>>, vector<16xf32>,
      %add3A_506 = arith.addf %get3A_499, %get3A_505 : vector<16xf32>
      %add3A_507 = arith.constant 2048 : i32
      %add3A_508 = arith.addi %add3A_507, %add3A_320 : i32
      %add3A_509 = arith.constant 48 : i32
      %add3A_510 = arith.addi %add3A_508, %add3A_509 : i32
      %get3A_511 = arith.index_cast %add3A_510 : i32 to index
      %get3A_512 = tpu.vector_load %arg20[%get3A_511] {strides = array<i32>} : memref<14336xf32, #tpu.memory_space<vmem>>, vector<16xf32>,
      %add3A_513 = arith.addf %add3A_506, %get3A_512 : vector<16xf32>
      %add3A_514 = arith.constant 4096 : i32
      %add3A_515 = arith.addi %add3A_514, %add3A_320 : i32
      %add3A_516 = arith.constant 48 : i32
      %add3A_517 = arith.addi %add3A_515, %add3A_516 : i32
      %get3A_518 = arith.index_cast %add3A_517 : i32 to index
      %get3A_519 = tpu.vector_load %arg20[%get3A_518] {strides = array<i32>} : memref<14336xf32, #tpu.memory_space<vmem>>, vector<16xf32>,
      %add3A_520 = arith.addf %add3A_513, %get3A_519 : vector<16xf32>
      %add3A_521 = arith.constant 6144 : i32
      %add3A_522 = arith.addi %add3A_521, %add3A_320 : i32
      %add3A_523 = arith.constant 48 : i32
      %add3A_524 = arith.addi %add3A_522, %add3A_523 : i32
      %get3A_525 = arith.index_cast %add3A_524 : i32 to index
      %get3A_526 = tpu.vector_load %arg20[%get3A_525] {strides = array<i32>} : memref<14336xf32, #tpu.memory_space<vmem>>, vector<16xf32>,
      %add3A_527 = arith.addf %add3A_520, %get3A_526 : vector<16xf32>
      %add3A_528 = arith.constant 8192 : i32
      %add3A_529 = arith.addi %add3A_528, %add3A_320 : i32
      %add3A_530 = arith.constant 48 : i32
      %add3A_531 = arith.addi %add3A_529, %add3A_530 : i32
      %get3A_532 = arith.index_cast %add3A_531 : i32 to index
      %get3A_533 = tpu.vector_load %arg20[%get3A_532] {strides = array<i32>} : memref<14336xf32, #tpu.memory_space<vmem>>, vector<16xf32>,
      %add3A_534 = arith.addf %add3A_527, %get3A_533 : vector<16xf32>
      %add3A_535 = arith.constant 10240 : i32
      %add3A_536 = arith.addi %add3A_535, %add3A_320 : i32
      %add3A_537 = arith.constant 48 : i32
      %add3A_538 = arith.addi %add3A_536, %add3A_537 : i32
      %get3A_539 = arith.index_cast %add3A_538 : i32 to index
      %get3A_540 = tpu.vector_load %arg20[%get3A_539] {strides = array<i32>} : memref<14336xf32, #tpu.memory_space<vmem>>, vector<16xf32>,
      %add3A_541 = arith.addf %add3A_534, %get3A_540 : vector<16xf32>
      %add3A_542 = arith.constant 12288 : i32
      %add3A_543 = arith.addi %add3A_542, %add3A_320 : i32
      %add3A_544 = arith.constant 48 : i32
      %add3A_545 = arith.addi %add3A_543, %add3A_544 : i32
      %get3A_546 = arith.index_cast %add3A_545 : i32 to index
      %get3A_547 = tpu.vector_load %arg20[%get3A_546] {strides = array<i32>} : memref<14336xf32, #tpu.memory_space<vmem>>, vector<16xf32>,
      %add3A_548 = arith.addf %add3A_541, %get3A_547 : vector<16xf32>
      %swap3A_549 = arith.index_cast %add3A_497 : i32 to index
      %swap3A_550 = tpu.vector_load %arg19[%swap3A_549] {strides = array<i32>} : memref<16384xf32, #tpu.memory_space<vmem>>, vector<16xf32>,
      tpu.vector_store %arg19[%swap3A_549], %add3A_548 {strides = array<i32>} : memref<16384xf32, #tpu.memory_space<vmem>>, vector<16xf32>,
    }
    %scan3A_292 = arith.constant 32 : i32
    %mul3A_293 = arith.constant 2048 : i32
    %mul3A_294 = arith.muli %select_n3A_30, %mul3A_293 : i32
    %mul3A_295 = arith.constant 16384 : i32
    %mul3A_296 = arith.muli %select_n3A_54, %mul3A_295 : i32
    %mul3A_297 = arith.constant 2048 : i32
    %mul3A_298 = arith.muli %select_n3A_30, %mul3A_297 : i32
    %add3A_299 = arith.addi %mul3A_296, %mul3A_298 : i32
    "tpu.region"() ({
      %run_scoped3A = tpu.sem_alloc : memref<!tpu.dma_semaphore, #tpu.memory_space<semaphore_mem>>
      %dma_start3A_316 = tpu.memref_slice %arg19[%mul3A_294] : memref<16384xf32, #tpu.memory_space<vmem>> -> memref<2048xf32, #tpu.memory_space<vmem>>
      %dma_start3A_317 = tpu.memref_slice %arg23[%add3A_299] : memref<32768xf32, #tpu.memory_space<vmem_shared>> -> memref<2048xf32, #tpu.memory_space<vmem_shared>>
      %dma_start3A_318 = tpu.memref_slice %arg23[%add3A_299] : memref<32768xf32, #tpu.memory_space<vmem_shared>> -> memref<2048xf32, #tpu.memory_space<vmem_shared>>
      %dma_start3A_319 = tpu.memref_slice %arg19[%mul3A_294] : memref<16384xf32, #tpu.memory_space<vmem>> -> memref<2048xf32, #tpu.memory_space<vmem>>
      tpu.enqueue_dma source(%dma_start3A_319 : memref<2048xf32, #tpu.memory_space<vmem>>) target(%dma_start3A_318 : memref<2048xf32, #tpu.memory_space<vmem_shared>>) target_semaphore(%run_scoped3A : memref<!tpu.dma_semaphore, #tpu.memory_space<semaphore_mem>>)
      %dma_wait3A_320 = tpu.memref_slice %arg19[%mul3A_294] : memref<16384xf32, #tpu.memory_space<vmem>> -> memref<2048xf32, #tpu.memory_space<vmem>>
      %dma_wait3A_321 = tpu.memref_slice %arg23[%add3A_299] : memref<32768xf32, #tpu.memory_space<vmem_shared>> -> memref<2048xf32, #tpu.memory_space<vmem_shared>>
      %dma_wait3A_322 = tpu.memref_slice %arg23[%add3A_299] : memref<32768xf32, #tpu.memory_space<vmem_shared>> -> memref<2048xf32, #tpu.memory_space<vmem_shared>>
      %dma_wait3A_323 = tpu.memref_slice %arg19[%mul3A_294] : memref<16384xf32, #tpu.memory_space<vmem>> -> memref<2048xf32, #tpu.memory_space<vmem>>
      tpu.wait_dma2 semaphore(%run_scoped3A : memref<!tpu.dma_semaphore, #tpu.memory_space<semaphore_mem>>) src(%dma_wait3A_323 : memref<2048xf32, #tpu.memory_space<vmem>>) dst(%dma_wait3A_322 : memref<2048xf32, #tpu.memory_space<vmem_shared>>)
      tpu.yield
    }) : () -> ()
    %barrier3A_300 = arith.constant 0 : index
    tpu.barrier barrier_id(%barrier3A_300)
    %mul3A_301 = arith.constant 16384 : i32
    %mul3A_302 = arith.muli %select_n3A_54, %mul3A_301 : i32
    "tpu.region"() ({
      %run_scoped3A = tpu.sem_alloc : memref<!tpu.dma_semaphore, #tpu.memory_space<semaphore_mem>>
      %dma_start3A_316 = tpu.memref_slice %arg23[%mul3A_302] : memref<32768xf32, #tpu.memory_space<vmem_shared>> -> memref<16384xf32, #tpu.memory_space<vmem_shared>>
      %dma_start3A_317 = tpu.memref_slice %arg23[%mul3A_302] : memref<32768xf32, #tpu.memory_space<vmem_shared>> -> memref<16384xf32, #tpu.memory_space<vmem_shared>>
      tpu.enqueue_dma source(%dma_start3A_317 : memref<16384xf32, #tpu.memory_space<vmem_shared>>) target(%arg19 : memref<16384xf32, #tpu.memory_space<vmem>>) target_semaphore(%run_scoped3A : memref<!tpu.dma_semaphore, #tpu.memory_space<semaphore_mem>>)
      %dma_wait3A_318 = tpu.memref_slice %arg23[%mul3A_302] : memref<32768xf32, #tpu.memory_space<vmem_shared>> -> memref<16384xf32, #tpu.memory_space<vmem_shared>>
      %dma_wait3A_319 = tpu.memref_slice %arg23[%mul3A_302] : memref<32768xf32, #tpu.memory_space<vmem_shared>> -> memref<16384xf32, #tpu.memory_space<vmem_shared>>
      tpu.wait_dma2 semaphore(%run_scoped3A : memref<!tpu.dma_semaphore, #tpu.memory_space<semaphore_mem>>) src(%dma_wait3A_319 : memref<16384xf32, #tpu.memory_space<vmem_shared>>) dst(%arg19 : memref<16384xf32, #tpu.memory_space<vmem>>)
      tpu.yield
    }) : () -> ()
    %lt3A_303 = arith.constant 4 : i32
    %lt3A_304 = vector.broadcast %lt3A_303 : i32 to vector<16xi32>
    %lt3A_305 = arith.cmpi slt, %iota3A, %lt3A_304 : vector<16xi32>
    %scan3A_306 = arith.constant 0 : i32
    %scan3A_307 = arith.constant 49 : i32
    %scan3A_308 = arith.addi %scan3A_306, %scan3A_307 : i32
    %scan3A_309 = arith.constant 1 : i32
    scf.for %scan3A_316 = %scan3A_306 to %scan3A_308 step %scan3A_309  : i32 {
      %mul3A_317 = arith.constant 1 : i32
      %mul3A_318 = arith.muli %scan3A_316, %mul3A_317 : i32
      %add3A_319 = arith.constant 0 : i32
      %add3A_320 = arith.addi %add3A_319, %mul3A_318 : i32
      %mul3A_321 = arith.constant 256 : i32
      %mul3A_322 = arith.muli %add3A_320, %mul3A_321 : i32
      %broadcast_in_dim3A_323 = arith.constant -1.000000e+30 : f32
      %broadcast_in_dim3A_324 = vector.broadcast %broadcast_in_dim3A_323 : f32 to vector<16xf32>
      %add3A_325 = arith.constant 0 : i32
      %add3A_326 = arith.addi %mul3A_322, %add3A_325 : i32
      %get3A = arith.index_cast %add3A_326 : i32 to index
      %get3A_327 = tpu.vector_load %arg19[%get3A] {strides = array<i32>} : memref<16384xf32, #tpu.memory_space<vmem>>, vector<16xf32>,
      %max3A = arith.maximumf %broadcast_in_dim3A_324, %get3A_327 : vector<16xf32>
      %add3A_328 = arith.constant 16 : i32
      %add3A_329 = arith.addi %mul3A_322, %add3A_328 : i32
      %get3A_330 = arith.index_cast %add3A_329 : i32 to index
      %get3A_331 = tpu.vector_load %arg19[%get3A_330] {strides = array<i32>} : memref<16384xf32, #tpu.memory_space<vmem>>, vector<16xf32>,
      %max3A_332 = arith.maximumf %max3A, %get3A_331 : vector<16xf32>
      %add3A_333 = arith.constant 32 : i32
      %add3A_334 = arith.addi %mul3A_322, %add3A_333 : i32
      %get3A_335 = arith.index_cast %add3A_334 : i32 to index
      %get3A_336 = tpu.vector_load %arg19[%get3A_335] {strides = array<i32>} : memref<16384xf32, #tpu.memory_space<vmem>>, vector<16xf32>,
      %max3A_337 = arith.maximumf %max3A_332, %get3A_336 : vector<16xf32>
      %add3A_338 = arith.constant 48 : i32
      %add3A_339 = arith.addi %mul3A_322, %add3A_338 : i32
      %get3A_340 = arith.index_cast %add3A_339 : i32 to index
      %get3A_341 = tpu.vector_load %arg19[%get3A_340] {strides = array<i32>} : memref<16384xf32, #tpu.memory_space<vmem>>, vector<16xf32>,
      %max3A_342 = arith.maximumf %max3A_337, %get3A_341 : vector<16xf32>
      %add3A_343 = arith.constant 64 : i32
      %add3A_344 = arith.addi %mul3A_322, %add3A_343 : i32
      %get3A_345 = arith.index_cast %add3A_344 : i32 to index
      %get3A_346 = tpu.vector_load %arg19[%get3A_345] {strides = array<i32>} : memref<16384xf32, #tpu.memory_space<vmem>>, vector<16xf32>,
      %max3A_347 = arith.maximumf %max3A_342, %get3A_346 : vector<16xf32>
      %add3A_348 = arith.constant 80 : i32
      %add3A_349 = arith.addi %mul3A_322, %add3A_348 : i32
      %get3A_350 = arith.index_cast %add3A_349 : i32 to index
      %get3A_351 = tpu.vector_load %arg19[%get3A_350] {strides = array<i32>} : memref<16384xf32, #tpu.memory_space<vmem>>, vector<16xf32>,
      %max3A_352 = arith.maximumf %max3A_347, %get3A_351 : vector<16xf32>
      %add3A_353 = arith.constant 96 : i32
      %add3A_354 = arith.addi %mul3A_322, %add3A_353 : i32
      %get3A_355 = arith.index_cast %add3A_354 : i32 to index
      %get3A_356 = tpu.vector_load %arg19[%get3A_355] {strides = array<i32>} : memref<16384xf32, #tpu.memory_space<vmem>>, vector<16xf32>,
      %max3A_357 = arith.maximumf %max3A_352, %get3A_356 : vector<16xf32>
      %add3A_358 = arith.constant 112 : i32
      %add3A_359 = arith.addi %mul3A_322, %add3A_358 : i32
      %get3A_360 = arith.index_cast %add3A_359 : i32 to index
      %get3A_361 = tpu.vector_load %arg19[%get3A_360] {strides = array<i32>} : memref<16384xf32, #tpu.memory_space<vmem>>, vector<16xf32>,
      %max3A_362 = arith.maximumf %max3A_357, %get3A_361 : vector<16xf32>
      %add3A_363 = arith.constant 128 : i32
      %add3A_364 = arith.addi %mul3A_322, %add3A_363 : i32
      %get3A_365 = arith.index_cast %add3A_364 : i32 to index
      %get3A_366 = tpu.vector_load %arg19[%get3A_365] {strides = array<i32>} : memref<16384xf32, #tpu.memory_space<vmem>>, vector<16xf32>,
      %max3A_367 = arith.maximumf %max3A_362, %get3A_366 : vector<16xf32>
      %add3A_368 = arith.constant 144 : i32
      %add3A_369 = arith.addi %mul3A_322, %add3A_368 : i32
      %get3A_370 = arith.index_cast %add3A_369 : i32 to index
      %get3A_371 = tpu.vector_load %arg19[%get3A_370] {strides = array<i32>} : memref<16384xf32, #tpu.memory_space<vmem>>, vector<16xf32>,
      %max3A_372 = arith.maximumf %max3A_367, %get3A_371 : vector<16xf32>
      %add3A_373 = arith.constant 160 : i32
      %add3A_374 = arith.addi %mul3A_322, %add3A_373 : i32
      %get3A_375 = arith.index_cast %add3A_374 : i32 to index
      %get3A_376 = tpu.vector_load %arg19[%get3A_375] {strides = array<i32>} : memref<16384xf32, #tpu.memory_space<vmem>>, vector<16xf32>,
      %max3A_377 = arith.maximumf %max3A_372, %get3A_376 : vector<16xf32>
      %add3A_378 = arith.constant 176 : i32
      %add3A_379 = arith.addi %mul3A_322, %add3A_378 : i32
      %get3A_380 = arith.index_cast %add3A_379 : i32 to index
      %get3A_381 = tpu.vector_load %arg19[%get3A_380] {strides = array<i32>} : memref<16384xf32, #tpu.memory_space<vmem>>, vector<16xf32>,
      %max3A_382 = arith.maximumf %max3A_377, %get3A_381 : vector<16xf32>
      %add3A_383 = arith.constant 192 : i32
      %add3A_384 = arith.addi %mul3A_322, %add3A_383 : i32
      %get3A_385 = arith.index_cast %add3A_384 : i32 to index
      %get3A_386 = tpu.vector_load %arg19[%get3A_385] {strides = array<i32>} : memref<16384xf32, #tpu.memory_space<vmem>>, vector<16xf32>,
      %jit3A_387 = arith.constant -1.000000e+30 : f32
      %broadcast_in_dim3A_388 = vector.broadcast %jit3A_387 : f32 to vector<16xf32>
      %select_n3A_389 = arith.select %lt3A_305, %get3A_386, %broadcast_in_dim3A_388 : vector<16xi1>, vector<16xf32>
      %max3A_390 = arith.maximumf %max3A_382, %select_n3A_389 : vector<16xf32>
      %reduce_max3A = arith.constant true
      %reduce_max3A_391 = vector.broadcast %reduce_max3A : i1 to vector<16xi1>
      %reduce_max3A_392 = tpu.scan <max>, %max3A_390 masked %reduce_max3A_391 : vector<16xf32>, vector<16xi1> -> vector<16xf32>
      %reduce_max3A_393 = vector.extract %reduce_max3A_392[15] : f32 from vector<16xf32>
      %add3A_394 = arith.constant 0 : i32
      %add3A_395 = arith.addi %mul3A_322, %add3A_394 : i32
      %get3A_396 = arith.index_cast %add3A_395 : i32 to index
      %get3A_397 = tpu.vector_load %arg19[%get3A_396] {strides = array<i32>} : memref<16384xf32, #tpu.memory_space<vmem>>, vector<16xf32>,
      %sub3A_398 = vector.broadcast %reduce_max3A_393 : f32 to vector<16xf32>
      %sub3A_399 = arith.subf %get3A_397, %sub3A_398 : vector<16xf32>
      %exp3A = math.exp %sub3A_399 : vector<16xf32>
      %add3A_400 = arith.constant 0 : i32
      %add3A_401 = arith.addi %mul3A_322, %add3A_400 : i32
      %swap3A = arith.index_cast %add3A_401 : i32 to index
      %swap3A_402 = tpu.vector_load %arg19[%swap3A] {strides = array<i32>} : memref<16384xf32, #tpu.memory_space<vmem>>, vector<16xf32>,
      tpu.vector_store %arg19[%swap3A], %exp3A {strides = array<i32>} : memref<16384xf32, #tpu.memory_space<vmem>>, vector<16xf32>,
      %add3A_403 = arith.addf %broadcast_in_dim3A_109, %exp3A : vector<16xf32>
      %add3A_404 = arith.constant 16 : i32
      %add3A_405 = arith.addi %mul3A_322, %add3A_404 : i32
      %get3A_406 = arith.index_cast %add3A_405 : i32 to index
      %get3A_407 = tpu.vector_load %arg19[%get3A_406] {strides = array<i32>} : memref<16384xf32, #tpu.memory_space<vmem>>, vector<16xf32>,
      %sub3A_408 = vector.broadcast %reduce_max3A_393 : f32 to vector<16xf32>
      %sub3A_409 = arith.subf %get3A_407, %sub3A_408 : vector<16xf32>
      %exp3A_410 = math.exp %sub3A_409 : vector<16xf32>
      %add3A_411 = arith.constant 16 : i32
      %add3A_412 = arith.addi %mul3A_322, %add3A_411 : i32
      %swap3A_413 = arith.index_cast %add3A_412 : i32 to index
      %swap3A_414 = tpu.vector_load %arg19[%swap3A_413] {strides = array<i32>} : memref<16384xf32, #tpu.memory_space<vmem>>, vector<16xf32>,
      tpu.vector_store %arg19[%swap3A_413], %exp3A_410 {strides = array<i32>} : memref<16384xf32, #tpu.memory_space<vmem>>, vector<16xf32>,
      %add3A_415 = arith.addf %add3A_403, %exp3A_410 : vector<16xf32>
      %add3A_416 = arith.constant 32 : i32
      %add3A_417 = arith.addi %mul3A_322, %add3A_416 : i32
      %get3A_418 = arith.index_cast %add3A_417 : i32 to index
      %get3A_419 = tpu.vector_load %arg19[%get3A_418] {strides = array<i32>} : memref<16384xf32, #tpu.memory_space<vmem>>, vector<16xf32>,
      %sub3A_420 = vector.broadcast %reduce_max3A_393 : f32 to vector<16xf32>
      %sub3A_421 = arith.subf %get3A_419, %sub3A_420 : vector<16xf32>
      %exp3A_422 = math.exp %sub3A_421 : vector<16xf32>
      %add3A_423 = arith.constant 32 : i32
      %add3A_424 = arith.addi %mul3A_322, %add3A_423 : i32
      %swap3A_425 = arith.index_cast %add3A_424 : i32 to index
      %swap3A_426 = tpu.vector_load %arg19[%swap3A_425] {strides = array<i32>} : memref<16384xf32, #tpu.memory_space<vmem>>, vector<16xf32>,
      tpu.vector_store %arg19[%swap3A_425], %exp3A_422 {strides = array<i32>} : memref<16384xf32, #tpu.memory_space<vmem>>, vector<16xf32>,
      %add3A_427 = arith.addf %add3A_415, %exp3A_422 : vector<16xf32>
      %add3A_428 = arith.constant 48 : i32
      %add3A_429 = arith.addi %mul3A_322, %add3A_428 : i32
      %get3A_430 = arith.index_cast %add3A_429 : i32 to index
      %get3A_431 = tpu.vector_load %arg19[%get3A_430] {strides = array<i32>} : memref<16384xf32, #tpu.memory_space<vmem>>, vector<16xf32>,
      %sub3A_432 = vector.broadcast %reduce_max3A_393 : f32 to vector<16xf32>
      %sub3A_433 = arith.subf %get3A_431, %sub3A_432 : vector<16xf32>
      %exp3A_434 = math.exp %sub3A_433 : vector<16xf32>
      %add3A_435 = arith.constant 48 : i32
      %add3A_436 = arith.addi %mul3A_322, %add3A_435 : i32
      %swap3A_437 = arith.index_cast %add3A_436 : i32 to index
      %swap3A_438 = tpu.vector_load %arg19[%swap3A_437] {strides = array<i32>} : memref<16384xf32, #tpu.memory_space<vmem>>, vector<16xf32>,
      tpu.vector_store %arg19[%swap3A_437], %exp3A_434 {strides = array<i32>} : memref<16384xf32, #tpu.memory_space<vmem>>, vector<16xf32>,
      %add3A_439 = arith.addf %add3A_427, %exp3A_434 : vector<16xf32>
      %add3A_440 = arith.constant 64 : i32
      %add3A_441 = arith.addi %mul3A_322, %add3A_440 : i32
      %get3A_442 = arith.index_cast %add3A_441 : i32 to index
      %get3A_443 = tpu.vector_load %arg19[%get3A_442] {strides = array<i32>} : memref<16384xf32, #tpu.memory_space<vmem>>, vector<16xf32>,
      %sub3A_444 = vector.broadcast %reduce_max3A_393 : f32 to vector<16xf32>
      %sub3A_445 = arith.subf %get3A_443, %sub3A_444 : vector<16xf32>
      %exp3A_446 = math.exp %sub3A_445 : vector<16xf32>
      %add3A_447 = arith.constant 64 : i32
      %add3A_448 = arith.addi %mul3A_322, %add3A_447 : i32
      %swap3A_449 = arith.index_cast %add3A_448 : i32 to index
      %swap3A_450 = tpu.vector_load %arg19[%swap3A_449] {strides = array<i32>} : memref<16384xf32, #tpu.memory_space<vmem>>, vector<16xf32>,
      tpu.vector_store %arg19[%swap3A_449], %exp3A_446 {strides = array<i32>} : memref<16384xf32, #tpu.memory_space<vmem>>, vector<16xf32>,
      %add3A_451 = arith.addf %add3A_439, %exp3A_446 : vector<16xf32>
      %add3A_452 = arith.constant 80 : i32
      %add3A_453 = arith.addi %mul3A_322, %add3A_452 : i32
      %get3A_454 = arith.index_cast %add3A_453 : i32 to index
      %get3A_455 = tpu.vector_load %arg19[%get3A_454] {strides = array<i32>} : memref<16384xf32, #tpu.memory_space<vmem>>, vector<16xf32>,
      %sub3A_456 = vector.broadcast %reduce_max3A_393 : f32 to vector<16xf32>
      %sub3A_457 = arith.subf %get3A_455, %sub3A_456 : vector<16xf32>
      %exp3A_458 = math.exp %sub3A_457 : vector<16xf32>
      %add3A_459 = arith.constant 80 : i32
      %add3A_460 = arith.addi %mul3A_322, %add3A_459 : i32
      %swap3A_461 = arith.index_cast %add3A_460 : i32 to index
      %swap3A_462 = tpu.vector_load %arg19[%swap3A_461] {strides = array<i32>} : memref<16384xf32, #tpu.memory_space<vmem>>, vector<16xf32>,
      tpu.vector_store %arg19[%swap3A_461], %exp3A_458 {strides = array<i32>} : memref<16384xf32, #tpu.memory_space<vmem>>, vector<16xf32>,
      %add3A_463 = arith.addf %add3A_451, %exp3A_458 : vector<16xf32>
      %add3A_464 = arith.constant 96 : i32
      %add3A_465 = arith.addi %mul3A_322, %add3A_464 : i32
      %get3A_466 = arith.index_cast %add3A_465 : i32 to index
      %get3A_467 = tpu.vector_load %arg19[%get3A_466] {strides = array<i32>} : memref<16384xf32, #tpu.memory_space<vmem>>, vector<16xf32>,
      %sub3A_468 = vector.broadcast %reduce_max3A_393 : f32 to vector<16xf32>
      %sub3A_469 = arith.subf %get3A_467, %sub3A_468 : vector<16xf32>
      %exp3A_470 = math.exp %sub3A_469 : vector<16xf32>
      %add3A_471 = arith.constant 96 : i32
      %add3A_472 = arith.addi %mul3A_322, %add3A_471 : i32
      %swap3A_473 = arith.index_cast %add3A_472 : i32 to index
      %swap3A_474 = tpu.vector_load %arg19[%swap3A_473] {strides = array<i32>} : memref<16384xf32, #tpu.memory_space<vmem>>, vector<16xf32>,
      tpu.vector_store %arg19[%swap3A_473], %exp3A_470 {strides = array<i32>} : memref<16384xf32, #tpu.memory_space<vmem>>, vector<16xf32>,
      %add3A_475 = arith.addf %add3A_463, %exp3A_470 : vector<16xf32>
      %add3A_476 = arith.constant 112 : i32
      %add3A_477 = arith.addi %mul3A_322, %add3A_476 : i32
      %get3A_478 = arith.index_cast %add3A_477 : i32 to index
      %get3A_479 = tpu.vector_load %arg19[%get3A_478] {strides = array<i32>} : memref<16384xf32, #tpu.memory_space<vmem>>, vector<16xf32>,
      %sub3A_480 = vector.broadcast %reduce_max3A_393 : f32 to vector<16xf32>
      %sub3A_481 = arith.subf %get3A_479, %sub3A_480 : vector<16xf32>
      %exp3A_482 = math.exp %sub3A_481 : vector<16xf32>
      %add3A_483 = arith.constant 112 : i32
      %add3A_484 = arith.addi %mul3A_322, %add3A_483 : i32
      %swap3A_485 = arith.index_cast %add3A_484 : i32 to index
      %swap3A_486 = tpu.vector_load %arg19[%swap3A_485] {strides = array<i32>} : memref<16384xf32, #tpu.memory_space<vmem>>, vector<16xf32>,
      tpu.vector_store %arg19[%swap3A_485], %exp3A_482 {strides = array<i32>} : memref<16384xf32, #tpu.memory_space<vmem>>, vector<16xf32>,
      %add3A_487 = arith.addf %add3A_475, %exp3A_482 : vector<16xf32>
      %add3A_488 = arith.constant 128 : i32
      %add3A_489 = arith.addi %mul3A_322, %add3A_488 : i32
      %get3A_490 = arith.index_cast %add3A_489 : i32 to index
      %get3A_491 = tpu.vector_load %arg19[%get3A_490] {strides = array<i32>} : memref<16384xf32, #tpu.memory_space<vmem>>, vector<16xf32>,
      %sub3A_492 = vector.broadcast %reduce_max3A_393 : f32 to vector<16xf32>
      %sub3A_493 = arith.subf %get3A_491, %sub3A_492 : vector<16xf32>
      %exp3A_494 = math.exp %sub3A_493 : vector<16xf32>
      %add3A_495 = arith.constant 128 : i32
      %add3A_496 = arith.addi %mul3A_322, %add3A_495 : i32
      %swap3A_497 = arith.index_cast %add3A_496 : i32 to index
      %swap3A_498 = tpu.vector_load %arg19[%swap3A_497] {strides = array<i32>} : memref<16384xf32, #tpu.memory_space<vmem>>, vector<16xf32>,
      tpu.vector_store %arg19[%swap3A_497], %exp3A_494 {strides = array<i32>} : memref<16384xf32, #tpu.memory_space<vmem>>, vector<16xf32>,
      %add3A_499 = arith.addf %add3A_487, %exp3A_494 : vector<16xf32>
      %add3A_500 = arith.constant 144 : i32
      %add3A_501 = arith.addi %mul3A_322, %add3A_500 : i32
      %get3A_502 = arith.index_cast %add3A_501 : i32 to index
      %get3A_503 = tpu.vector_load %arg19[%get3A_502] {strides = array<i32>} : memref<16384xf32, #tpu.memory_space<vmem>>, vector<16xf32>,
      %sub3A_504 = vector.broadcast %reduce_max3A_393 : f32 to vector<16xf32>
      %sub3A_505 = arith.subf %get3A_503, %sub3A_504 : vector<16xf32>
      %exp3A_506 = math.exp %sub3A_505 : vector<16xf32>
      %add3A_507 = arith.constant 144 : i32
      %add3A_508 = arith.addi %mul3A_322, %add3A_507 : i32
      %swap3A_509 = arith.index_cast %add3A_508 : i32 to index
      %swap3A_510 = tpu.vector_load %arg19[%swap3A_509] {strides = array<i32>} : memref<16384xf32, #tpu.memory_space<vmem>>, vector<16xf32>,
      tpu.vector_store %arg19[%swap3A_509], %exp3A_506 {strides = array<i32>} : memref<16384xf32, #tpu.memory_space<vmem>>, vector<16xf32>,
      %add3A_511 = arith.addf %add3A_499, %exp3A_506 : vector<16xf32>
      %add3A_512 = arith.constant 160 : i32
      %add3A_513 = arith.addi %mul3A_322, %add3A_512 : i32
      %get3A_514 = arith.index_cast %add3A_513 : i32 to index
      %get3A_515 = tpu.vector_load %arg19[%get3A_514] {strides = array<i32>} : memref<16384xf32, #tpu.memory_space<vmem>>, vector<16xf32>,
      %sub3A_516 = vector.broadcast %reduce_max3A_393 : f32 to vector<16xf32>
      %sub3A_517 = arith.subf %get3A_515, %sub3A_516 : vector<16xf32>
      %exp3A_518 = math.exp %sub3A_517 : vector<16xf32>
      %add3A_519 = arith.constant 160 : i32
      %add3A_520 = arith.addi %mul3A_322, %add3A_519 : i32
      %swap3A_521 = arith.index_cast %add3A_520 : i32 to index
      %swap3A_522 = tpu.vector_load %arg19[%swap3A_521] {strides = array<i32>} : memref<16384xf32, #tpu.memory_space<vmem>>, vector<16xf32>,
      tpu.vector_store %arg19[%swap3A_521], %exp3A_518 {strides = array<i32>} : memref<16384xf32, #tpu.memory_space<vmem>>, vector<16xf32>,
      %add3A_523 = arith.addf %add3A_511, %exp3A_518 : vector<16xf32>
      %add3A_524 = arith.constant 176 : i32
      %add3A_525 = arith.addi %mul3A_322, %add3A_524 : i32
      %get3A_526 = arith.index_cast %add3A_525 : i32 to index
      %get3A_527 = tpu.vector_load %arg19[%get3A_526] {strides = array<i32>} : memref<16384xf32, #tpu.memory_space<vmem>>, vector<16xf32>,
      %sub3A_528 = vector.broadcast %reduce_max3A_393 : f32 to vector<16xf32>
      %sub3A_529 = arith.subf %get3A_527, %sub3A_528 : vector<16xf32>
      %exp3A_530 = math.exp %sub3A_529 : vector<16xf32>
      %add3A_531 = arith.constant 176 : i32
      %add3A_532 = arith.addi %mul3A_322, %add3A_531 : i32
      %swap3A_533 = arith.index_cast %add3A_532 : i32 to index
      %swap3A_534 = tpu.vector_load %arg19[%swap3A_533] {strides = array<i32>} : memref<16384xf32, #tpu.memory_space<vmem>>, vector<16xf32>,
      tpu.vector_store %arg19[%swap3A_533], %exp3A_530 {strides = array<i32>} : memref<16384xf32, #tpu.memory_space<vmem>>, vector<16xf32>,
      %add3A_535 = arith.addf %add3A_523, %exp3A_530 : vector<16xf32>
      %add3A_536 = arith.constant 192 : i32
      %add3A_537 = arith.addi %mul3A_322, %add3A_536 : i32
      %get3A_538 = arith.index_cast %add3A_537 : i32 to index
      %get3A_539 = tpu.vector_load %arg19[%get3A_538] {strides = array<i32>} : memref<16384xf32, #tpu.memory_space<vmem>>, vector<16xf32>,
      %sub3A_540 = vector.broadcast %reduce_max3A_393 : f32 to vector<16xf32>
      %sub3A_541 = arith.subf %get3A_539, %sub3A_540 : vector<16xf32>
      %exp3A_542 = math.exp %sub3A_541 : vector<16xf32>
      %jit3A_543 = arith.constant 0.000000e+00 : f32
      %broadcast_in_dim3A_544 = vector.broadcast %jit3A_543 : f32 to vector<16xf32>
      %select_n3A_545 = arith.select %lt3A_305, %exp3A_542, %broadcast_in_dim3A_544 : vector<16xi1>, vector<16xf32>
      %add3A_546 = arith.constant 192 : i32
      %add3A_547 = arith.addi %mul3A_322, %add3A_546 : i32
      %swap3A_548 = arith.index_cast %add3A_547 : i32 to index
      %swap3A_549 = tpu.vector_load %arg19[%swap3A_548] {strides = array<i32>} : memref<16384xf32, #tpu.memory_space<vmem>>, vector<16xf32>,
      tpu.vector_store %arg19[%swap3A_548], %select_n3A_545 {strides = array<i32>} : memref<16384xf32, #tpu.memory_space<vmem>>, vector<16xf32>,
      %add3A_550 = arith.addf %add3A_535, %select_n3A_545 : vector<16xf32>
      %broadcast_in_dim3A_551 = arith.constant 1.000000e+00 : f32
      %broadcast_in_dim3A_552 = vector.broadcast %broadcast_in_dim3A_551 : f32 to vector<16xf32>
      %reduce_sum3A = arith.constant true
      %reduce_sum3A_553 = vector.broadcast %reduce_sum3A : i1 to vector<16xi1>
      %reduce_sum3A_554 = tpu.scan <sum>, %add3A_550 masked %reduce_sum3A_553 : vector<16xf32>, vector<16xi1> -> vector<16xf32>
      %reduce_sum3A_555 = vector.extract %reduce_sum3A_554[15] : f32 from vector<16xf32>
      %add3A_556 = vector.broadcast %reduce_sum3A_555 : f32 to vector<16xf32>
      %add3A_557 = arith.addf %broadcast_in_dim3A_109, %add3A_556 : vector<16xf32>
      %div3A_558 = arith.divf %broadcast_in_dim3A_552, %add3A_557 : vector<16xf32>
      %add3A_559 = arith.constant 0 : i32
      %add3A_560 = arith.addi %mul3A_322, %add3A_559 : i32
      %get3A_561 = arith.index_cast %add3A_560 : i32 to index
      %get3A_562 = tpu.vector_load %arg19[%get3A_561] {strides = array<i32>} : memref<16384xf32, #tpu.memory_space<vmem>>, vector<16xf32>,
      %mul3A_563 = arith.mulf %get3A_562, %div3A_558 : vector<16xf32>
      %add3A_564 = arith.constant 0 : i32
      %add3A_565 = arith.addi %mul3A_322, %add3A_564 : i32
      %swap3A_566 = arith.index_cast %add3A_565 : i32 to index
      %swap3A_567 = tpu.vector_load %arg19[%swap3A_566] {strides = array<i32>} : memref<16384xf32, #tpu.memory_space<vmem>>, vector<16xf32>,
      tpu.vector_store %arg19[%swap3A_566], %mul3A_563 {strides = array<i32>} : memref<16384xf32, #tpu.memory_space<vmem>>, vector<16xf32>,
      %add3A_568 = arith.constant 16 : i32
      %add3A_569 = arith.addi %mul3A_322, %add3A_568 : i32
      %get3A_570 = arith.index_cast %add3A_569 : i32 to index
      %get3A_571 = tpu.vector_load %arg19[%get3A_570] {strides = array<i32>} : memref<16384xf32, #tpu.memory_space<vmem>>, vector<16xf32>,
      %mul3A_572 = arith.mulf %get3A_571, %div3A_558 : vector<16xf32>
      %add3A_573 = arith.constant 16 : i32
      %add3A_574 = arith.addi %mul3A_322, %add3A_573 : i32
      %swap3A_575 = arith.index_cast %add3A_574 : i32 to index
      %swap3A_576 = tpu.vector_load %arg19[%swap3A_575] {strides = array<i32>} : memref<16384xf32, #tpu.memory_space<vmem>>, vector<16xf32>,
      tpu.vector_store %arg19[%swap3A_575], %mul3A_572 {strides = array<i32>} : memref<16384xf32, #tpu.memory_space<vmem>>, vector<16xf32>,
      %add3A_577 = arith.constant 32 : i32
      %add3A_578 = arith.addi %mul3A_322, %add3A_577 : i32
      %get3A_579 = arith.index_cast %add3A_578 : i32 to index
      %get3A_580 = tpu.vector_load %arg19[%get3A_579] {strides = array<i32>} : memref<16384xf32, #tpu.memory_space<vmem>>, vector<16xf32>,
      %mul3A_581 = arith.mulf %get3A_580, %div3A_558 : vector<16xf32>
      %add3A_582 = arith.constant 32 : i32
      %add3A_583 = arith.addi %mul3A_322, %add3A_582 : i32
      %swap3A_584 = arith.index_cast %add3A_583 : i32 to index
      %swap3A_585 = tpu.vector_load %arg19[%swap3A_584] {strides = array<i32>} : memref<16384xf32, #tpu.memory_space<vmem>>, vector<16xf32>,
      tpu.vector_store %arg19[%swap3A_584], %mul3A_581 {strides = array<i32>} : memref<16384xf32, #tpu.memory_space<vmem>>, vector<16xf32>,
      %add3A_586 = arith.constant 48 : i32
      %add3A_587 = arith.addi %mul3A_322, %add3A_586 : i32
      %get3A_588 = arith.index_cast %add3A_587 : i32 to index
      %get3A_589 = tpu.vector_load %arg19[%get3A_588] {strides = array<i32>} : memref<16384xf32, #tpu.memory_space<vmem>>, vector<16xf32>,
      %mul3A_590 = arith.mulf %get3A_589, %div3A_558 : vector<16xf32>
      %add3A_591 = arith.constant 48 : i32
      %add3A_592 = arith.addi %mul3A_322, %add3A_591 : i32
      %swap3A_593 = arith.index_cast %add3A_592 : i32 to index
      %swap3A_594 = tpu.vector_load %arg19[%swap3A_593] {strides = array<i32>} : memref<16384xf32, #tpu.memory_space<vmem>>, vector<16xf32>,
      tpu.vector_store %arg19[%swap3A_593], %mul3A_590 {strides = array<i32>} : memref<16384xf32, #tpu.memory_space<vmem>>, vector<16xf32>,
      %add3A_595 = arith.constant 64 : i32
      %add3A_596 = arith.addi %mul3A_322, %add3A_595 : i32
      %get3A_597 = arith.index_cast %add3A_596 : i32 to index
      %get3A_598 = tpu.vector_load %arg19[%get3A_597] {strides = array<i32>} : memref<16384xf32, #tpu.memory_space<vmem>>, vector<16xf32>,
      %mul3A_599 = arith.mulf %get3A_598, %div3A_558 : vector<16xf32>
      %add3A_600 = arith.constant 64 : i32
      %add3A_601 = arith.addi %mul3A_322, %add3A_600 : i32
      %swap3A_602 = arith.index_cast %add3A_601 : i32 to index
      %swap3A_603 = tpu.vector_load %arg19[%swap3A_602] {strides = array<i32>} : memref<16384xf32, #tpu.memory_space<vmem>>, vector<16xf32>,
      tpu.vector_store %arg19[%swap3A_602], %mul3A_599 {strides = array<i32>} : memref<16384xf32, #tpu.memory_space<vmem>>, vector<16xf32>,
      %add3A_604 = arith.constant 80 : i32
      %add3A_605 = arith.addi %mul3A_322, %add3A_604 : i32
      %get3A_606 = arith.index_cast %add3A_605 : i32 to index
      %get3A_607 = tpu.vector_load %arg19[%get3A_606] {strides = array<i32>} : memref<16384xf32, #tpu.memory_space<vmem>>, vector<16xf32>,
      %mul3A_608 = arith.mulf %get3A_607, %div3A_558 : vector<16xf32>
      %add3A_609 = arith.constant 80 : i32
      %add3A_610 = arith.addi %mul3A_322, %add3A_609 : i32
      %swap3A_611 = arith.index_cast %add3A_610 : i32 to index
      %swap3A_612 = tpu.vector_load %arg19[%swap3A_611] {strides = array<i32>} : memref<16384xf32, #tpu.memory_space<vmem>>, vector<16xf32>,
      tpu.vector_store %arg19[%swap3A_611], %mul3A_608 {strides = array<i32>} : memref<16384xf32, #tpu.memory_space<vmem>>, vector<16xf32>,
      %add3A_613 = arith.constant 96 : i32
      %add3A_614 = arith.addi %mul3A_322, %add3A_613 : i32
      %get3A_615 = arith.index_cast %add3A_614 : i32 to index
      %get3A_616 = tpu.vector_load %arg19[%get3A_615] {strides = array<i32>} : memref<16384xf32, #tpu.memory_space<vmem>>, vector<16xf32>,
      %mul3A_617 = arith.mulf %get3A_616, %div3A_558 : vector<16xf32>
      %add3A_618 = arith.constant 96 : i32
      %add3A_619 = arith.addi %mul3A_322, %add3A_618 : i32
      %swap3A_620 = arith.index_cast %add3A_619 : i32 to index
      %swap3A_621 = tpu.vector_load %arg19[%swap3A_620] {strides = array<i32>} : memref<16384xf32, #tpu.memory_space<vmem>>, vector<16xf32>,
      tpu.vector_store %arg19[%swap3A_620], %mul3A_617 {strides = array<i32>} : memref<16384xf32, #tpu.memory_space<vmem>>, vector<16xf32>,
      %add3A_622 = arith.constant 112 : i32
      %add3A_623 = arith.addi %mul3A_322, %add3A_622 : i32
      %get3A_624 = arith.index_cast %add3A_623 : i32 to index
      %get3A_625 = tpu.vector_load %arg19[%get3A_624] {strides = array<i32>} : memref<16384xf32, #tpu.memory_space<vmem>>, vector<16xf32>,
      %mul3A_626 = arith.mulf %get3A_625, %div3A_558 : vector<16xf32>
      %add3A_627 = arith.constant 112 : i32
      %add3A_628 = arith.addi %mul3A_322, %add3A_627 : i32
      %swap3A_629 = arith.index_cast %add3A_628 : i32 to index
      %swap3A_630 = tpu.vector_load %arg19[%swap3A_629] {strides = array<i32>} : memref<16384xf32, #tpu.memory_space<vmem>>, vector<16xf32>,
      tpu.vector_store %arg19[%swap3A_629], %mul3A_626 {strides = array<i32>} : memref<16384xf32, #tpu.memory_space<vmem>>, vector<16xf32>,
      %add3A_631 = arith.constant 128 : i32
      %add3A_632 = arith.addi %mul3A_322, %add3A_631 : i32
      %get3A_633 = arith.index_cast %add3A_632 : i32 to index
      %get3A_634 = tpu.vector_load %arg19[%get3A_633] {strides = array<i32>} : memref<16384xf32, #tpu.memory_space<vmem>>, vector<16xf32>,
      %mul3A_635 = arith.mulf %get3A_634, %div3A_558 : vector<16xf32>
      %add3A_636 = arith.constant 128 : i32
      %add3A_637 = arith.addi %mul3A_322, %add3A_636 : i32
      %swap3A_638 = arith.index_cast %add3A_637 : i32 to index
      %swap3A_639 = tpu.vector_load %arg19[%swap3A_638] {strides = array<i32>} : memref<16384xf32, #tpu.memory_space<vmem>>, vector<16xf32>,
      tpu.vector_store %arg19[%swap3A_638], %mul3A_635 {strides = array<i32>} : memref<16384xf32, #tpu.memory_space<vmem>>, vector<16xf32>,
      %add3A_640 = arith.constant 144 : i32
      %add3A_641 = arith.addi %mul3A_322, %add3A_640 : i32
      %get3A_642 = arith.index_cast %add3A_641 : i32 to index
      %get3A_643 = tpu.vector_load %arg19[%get3A_642] {strides = array<i32>} : memref<16384xf32, #tpu.memory_space<vmem>>, vector<16xf32>,
      %mul3A_644 = arith.mulf %get3A_643, %div3A_558 : vector<16xf32>
      %add3A_645 = arith.constant 144 : i32
      %add3A_646 = arith.addi %mul3A_322, %add3A_645 : i32
      %swap3A_647 = arith.index_cast %add3A_646 : i32 to index
      %swap3A_648 = tpu.vector_load %arg19[%swap3A_647] {strides = array<i32>} : memref<16384xf32, #tpu.memory_space<vmem>>, vector<16xf32>,
      tpu.vector_store %arg19[%swap3A_647], %mul3A_644 {strides = array<i32>} : memref<16384xf32, #tpu.memory_space<vmem>>, vector<16xf32>,
      %add3A_649 = arith.constant 160 : i32
      %add3A_650 = arith.addi %mul3A_322, %add3A_649 : i32
      %get3A_651 = arith.index_cast %add3A_650 : i32 to index
      %get3A_652 = tpu.vector_load %arg19[%get3A_651] {strides = array<i32>} : memref<16384xf32, #tpu.memory_space<vmem>>, vector<16xf32>,
      %mul3A_653 = arith.mulf %get3A_652, %div3A_558 : vector<16xf32>
      %add3A_654 = arith.constant 160 : i32
      %add3A_655 = arith.addi %mul3A_322, %add3A_654 : i32
      %swap3A_656 = arith.index_cast %add3A_655 : i32 to index
      %swap3A_657 = tpu.vector_load %arg19[%swap3A_656] {strides = array<i32>} : memref<16384xf32, #tpu.memory_space<vmem>>, vector<16xf32>,
      tpu.vector_store %arg19[%swap3A_656], %mul3A_653 {strides = array<i32>} : memref<16384xf32, #tpu.memory_space<vmem>>, vector<16xf32>,
      %add3A_658 = arith.constant 176 : i32
      %add3A_659 = arith.addi %mul3A_322, %add3A_658 : i32
      %get3A_660 = arith.index_cast %add3A_659 : i32 to index
      %get3A_661 = tpu.vector_load %arg19[%get3A_660] {strides = array<i32>} : memref<16384xf32, #tpu.memory_space<vmem>>, vector<16xf32>,
      %mul3A_662 = arith.mulf %get3A_661, %div3A_558 : vector<16xf32>
      %add3A_663 = arith.constant 176 : i32
      %add3A_664 = arith.addi %mul3A_322, %add3A_663 : i32
      %swap3A_665 = arith.index_cast %add3A_664 : i32 to index
      %swap3A_666 = tpu.vector_load %arg19[%swap3A_665] {strides = array<i32>} : memref<16384xf32, #tpu.memory_space<vmem>>, vector<16xf32>,
      tpu.vector_store %arg19[%swap3A_665], %mul3A_662 {strides = array<i32>} : memref<16384xf32, #tpu.memory_space<vmem>>, vector<16xf32>,
      %add3A_667 = arith.constant 192 : i32
      %add3A_668 = arith.addi %mul3A_322, %add3A_667 : i32
      %get3A_669 = arith.index_cast %add3A_668 : i32 to index
      %get3A_670 = tpu.vector_load %arg19[%get3A_669] {strides = array<i32>} : memref<16384xf32, #tpu.memory_space<vmem>>, vector<16xf32>,
      %mul3A_671 = arith.mulf %get3A_670, %div3A_558 : vector<16xf32>
      %add3A_672 = arith.constant 192 : i32
      %add3A_673 = arith.addi %mul3A_322, %add3A_672 : i32
      %swap3A_674 = arith.index_cast %add3A_673 : i32 to index
      %swap3A_675 = tpu.vector_load %arg19[%swap3A_674] {strides = array<i32>} : memref<16384xf32, #tpu.memory_space<vmem>>, vector<16xf32>,
      tpu.vector_store %arg19[%swap3A_674], %mul3A_671 {strides = array<i32>} : memref<16384xf32, #tpu.memory_space<vmem>>, vector<16xf32>,
    }
    %scan3A_310 = arith.constant 49 : i32
    %parallel_loop3A_311 = arith.constant 0 : i32
    %parallel_loop3A_312 = arith.constant 6272 : i32
    %parallel_loop3A_313 = arith.constant 16 : i32
    scf.for %parallel_loop3A_316 = %parallel_loop3A_311 to %parallel_loop3A_312 step %parallel_loop3A_313  : i32 {
      %parallel_loop3A_317 = arith.index_cast %parallel_loop3A_316 : i32 to index
      %parallel_loop3A_318 = tpu.vector_load %arg12[%parallel_loop3A_317] {strides = array<i32>} : memref<6272xi32, #tpu.memory_space<vmem>>, vector<16xi32>,
      %parallel_loop3A_319 = arith.index_cast %parallel_loop3A_316 : i32 to index
      %parallel_loop3A_320 = tpu.vector_load %arg13[%parallel_loop3A_319] {strides = array<i32>} : memref<6272xi32, #tpu.memory_space<vmem>>, vector<16xi32>,
      %parallel_loop3A_321 = arith.index_cast %parallel_loop3A_316 : i32 to index
      %parallel_loop3A_322 = tpu.vector_load %arg14[%parallel_loop3A_321] {strides = array<i32>} : memref<6272xi32, #tpu.memory_space<vmem>>, vector<16xi32>,
      %parallel_loop3A_323 = arith.constant 256 : i32
      %parallel_loop3A_324 = vector.broadcast %parallel_loop3A_323 : i32 to vector<16xi32>
      %parallel_loop3A_325 = arith.muli %parallel_loop3A_318, %parallel_loop3A_324 : vector<16xi32>
      %parallel_loop3A_326 = arith.addi %parallel_loop3A_325, %parallel_loop3A_320 : vector<16xi32>
      %parallel_loop3A_327 = tpu.vector_load_idx %arg19[%parallel_loop3A_326] : memref<16384xf32, #tpu.memory_space<vmem>>[vector<16xi32>], vector<16xf32>,
      %parallel_loop3A_328 = arith.index_cast %parallel_loop3A_316 : i32 to index
      %parallel_loop3A_329 = tpu.vector_load %arg15[%parallel_loop3A_328] {strides = array<i32>} : memref<6272xf32, #tpu.memory_space<vmem>>, vector<16xf32>,
      %parallel_loop3A_330 = arith.mulf %parallel_loop3A_329, %parallel_loop3A_327 : vector<16xf32>
      tpu.vector_store_idx %arg21[%parallel_loop3A_318, %parallel_loop3A_322], %parallel_loop3A_330 {add = true} : memref<64x768xf32, #tpu.memory_space<vmem>>[vector<16xi32>, vector<16xi32>], vector<16xf32>,
      %parallel_loop3A_331 = arith.constant 256 : i32
      %parallel_loop3A_332 = vector.broadcast %parallel_loop3A_331 : i32 to vector<16xi32>
      %parallel_loop3A_333 = arith.addi %parallel_loop3A_322, %parallel_loop3A_332 : vector<16xi32>
      %parallel_loop3A_334 = arith.index_cast %parallel_loop3A_316 : i32 to index
      %parallel_loop3A_335 = tpu.vector_load %arg16[%parallel_loop3A_334] {strides = array<i32>} : memref<6272xf32, #tpu.memory_space<vmem>>, vector<16xf32>,
      %parallel_loop3A_336 = arith.mulf %parallel_loop3A_335, %parallel_loop3A_327 : vector<16xf32>
      tpu.vector_store_idx %arg21[%parallel_loop3A_318, %parallel_loop3A_333], %parallel_loop3A_336 {add = true} : memref<64x768xf32, #tpu.memory_space<vmem>>[vector<16xi32>, vector<16xi32>], vector<16xf32>,
      %parallel_loop3A_337 = arith.constant 512 : i32
      %parallel_loop3A_338 = vector.broadcast %parallel_loop3A_337 : i32 to vector<16xi32>
      %parallel_loop3A_339 = arith.addi %parallel_loop3A_322, %parallel_loop3A_338 : vector<16xi32>
      %parallel_loop3A_340 = arith.index_cast %parallel_loop3A_316 : i32 to index
      %parallel_loop3A_341 = tpu.vector_load %arg17[%parallel_loop3A_340] {strides = array<i32>} : memref<6272xf32, #tpu.memory_space<vmem>>, vector<16xf32>,
      %parallel_loop3A_342 = arith.mulf %parallel_loop3A_341, %parallel_loop3A_327 : vector<16xf32>
      tpu.vector_store_idx %arg21[%parallel_loop3A_318, %parallel_loop3A_339], %parallel_loop3A_342 {add = true} : memref<64x768xf32, #tpu.memory_space<vmem>>[vector<16xi32>, vector<16xi32>], vector<16xf32>,
    } {sc.loop_unroll_factor = 4 : i64, sc.parallel_access}
    "tpu.region"() ({
      %run_scoped3A = tpu.sem_alloc : memref<!tpu.dma_semaphore, #tpu.memory_space<semaphore_mem>>
      %dma_start3A_316 = arith.constant 0 : i32
      %dma_start3A_317 = arith.constant 0 : i32
      %dma_start3A_318 = tpu.memref_slice %arg9[%select_n3A, %select_n3A_30, %dma_start3A_316, %dma_start3A_317] : memref<4x8x64x768xf32, #tpu.memory_space<hbm>> -> memref<1x1x64x768xf32, #tpu.memory_space<hbm>>
      %dma_start3A_319 = tpu.memref_squeeze %dma_start3A_318 : memref<1x1x64x768xf32, #tpu.memory_space<hbm>> -> memref<64x768xf32, #tpu.memory_space<hbm>>
      %dma_start3A_320 = arith.constant 0 : i32
      %dma_start3A_321 = arith.constant 0 : i32
      %dma_start3A_322 = tpu.memref_slice %arg9[%select_n3A, %select_n3A_30, %dma_start3A_320, %dma_start3A_321] : memref<4x8x64x768xf32, #tpu.memory_space<hbm>> -> memref<1x1x64x768xf32, #tpu.memory_space<hbm>>
      %dma_start3A_323 = tpu.memref_squeeze %dma_start3A_322 : memref<1x1x64x768xf32, #tpu.memory_space<hbm>> -> memref<64x768xf32, #tpu.memory_space<hbm>>
      tpu.enqueue_dma source(%arg21 : memref<64x768xf32, #tpu.memory_space<vmem>>) target(%dma_start3A_323 : memref<64x768xf32, #tpu.memory_space<hbm>>) target_semaphore(%run_scoped3A : memref<!tpu.dma_semaphore, #tpu.memory_space<semaphore_mem>>)
      %dma_wait3A_324 = arith.constant 0 : i32
      %dma_wait3A_325 = arith.constant 0 : i32
      %dma_wait3A_326 = tpu.memref_slice %arg9[%select_n3A, %select_n3A_30, %dma_wait3A_324, %dma_wait3A_325] : memref<4x8x64x768xf32, #tpu.memory_space<hbm>> -> memref<1x1x64x768xf32, #tpu.memory_space<hbm>>
      %dma_wait3A_327 = tpu.memref_squeeze %dma_wait3A_326 : memref<1x1x64x768xf32, #tpu.memory_space<hbm>> -> memref<64x768xf32, #tpu.memory_space<hbm>>
      %dma_wait3A_328 = arith.constant 0 : i32
      %dma_wait3A_329 = arith.constant 0 : i32
      %dma_wait3A_330 = tpu.memref_slice %arg9[%select_n3A, %select_n3A_30, %dma_wait3A_328, %dma_wait3A_329] : memref<4x8x64x768xf32, #tpu.memory_space<hbm>> -> memref<1x1x64x768xf32, #tpu.memory_space<hbm>>
      %dma_wait3A_331 = tpu.memref_squeeze %dma_wait3A_330 : memref<1x1x64x768xf32, #tpu.memory_space<hbm>> -> memref<64x768xf32, #tpu.memory_space<hbm>>
      tpu.wait_dma2 semaphore(%run_scoped3A : memref<!tpu.dma_semaphore, #tpu.memory_space<semaphore_mem>>) src(%arg21 : memref<64x768xf32, #tpu.memory_space<vmem>>) dst(%dma_wait3A_331 : memref<64x768xf32, #tpu.memory_space<hbm>>)
      tpu.yield
    }) : () -> ()
    %mul3A_314 = arith.constant 64 : i32
    %mul3A_315 = arith.muli %add3A, %mul3A_314 : i32
    "tpu.region"() ({
      %run_scoped3A = tpu.sem_alloc : memref<!tpu.dma_semaphore, #tpu.memory_space<semaphore_mem>>
      %dma_start3A_316 = tpu.memref_slice %arg10[%mul3A_315] : memref<2048xf32, #tpu.memory_space<hbm>> -> memref<64xf32, #tpu.memory_space<hbm>>
      %dma_start3A_317 = tpu.memref_slice %arg10[%mul3A_315] : memref<2048xf32, #tpu.memory_space<hbm>> -> memref<64xf32, #tpu.memory_space<hbm>>
      tpu.enqueue_dma source(%arg22 : memref<64xf32, #tpu.memory_space<vmem>>) target(%dma_start3A_317 : memref<64xf32, #tpu.memory_space<hbm>>) target_semaphore(%run_scoped3A : memref<!tpu.dma_semaphore, #tpu.memory_space<semaphore_mem>>)
      %dma_wait3A_318 = tpu.memref_slice %arg10[%mul3A_315] : memref<2048xf32, #tpu.memory_space<hbm>> -> memref<64xf32, #tpu.memory_space<hbm>>
      %dma_wait3A_319 = tpu.memref_slice %arg10[%mul3A_315] : memref<2048xf32, #tpu.memory_space<hbm>> -> memref<64xf32, #tpu.memory_space<hbm>>
      tpu.wait_dma2 semaphore(%run_scoped3A : memref<!tpu.dma_semaphore, #tpu.memory_space<semaphore_mem>>) src(%arg22 : memref<64xf32, #tpu.memory_space<vmem>>) dst(%dma_wait3A_319 : memref<64xf32, #tpu.memory_space<hbm>>)
      tpu.yield
    }) : () -> ()
    return
  }
}

module attributes {stable_mosaic.version = 14 : i64} {
  func.func @_k1_body(%arg0: i32, %arg1: memref<1x3x226x226xf32, #tpu.memory_space<vmem>>, %arg2: memref<64x27xf32, #tpu.memory_space<vmem>>, %arg3: memref<64x1xf32, #tpu.memory_space<vmem>>, %arg4: memref<1x96xf32, #tpu.memory_space<vmem>>, %arg5: memref<96x768xf32, #tpu.memory_space<vmem>>, %arg6: memref<1x1x50176xi32, #tpu.memory_space<vmem>>, %arg7: memref<1x768xf32, #tpu.memory_space<vmem>>) attributes {dimension_semantics = [#tpu.dimension_semantics<arbitrary>], iteration_bounds = array<i64: 4>, scalar_prefetch = 0 : i64, scratch_operands = 0 : i64, tpu.core_type = #tpu.core_type<tc>, window_params = [{transform_indices = @transform_0, window_bounds = array<i64: 1, 3, 226, 226>}, {pipeline_mode = #tpu.pipeline_mode<synchronous>, transform_indices = @transform_1, window_bounds = array<i64: 64, 27>}, {pipeline_mode = #tpu.pipeline_mode<synchronous>, transform_indices = @transform_2, window_bounds = array<i64: 64, 1>}, {pipeline_mode = #tpu.pipeline_mode<synchronous>, transform_indices = @transform_3, window_bounds = array<i64: 1, 96>}, {pipeline_mode = #tpu.pipeline_mode<synchronous>, transform_indices = @transform_4, window_bounds = array<i64: 96, 768>}, {transform_indices = @transform_5, window_bounds = array<i64: 1, 1, 50176>}, {pipeline_mode = #tpu.pipeline_mode<synchronous>, transform_indices = @transform_6, window_bounds = array<i64: 1, 768>}]} {
    %get3A = arith.constant 0 : index
    %get3A_0 = arith.constant 0 : index
    %get3A_1 = arith.constant 0 : index
    %get3A_2 = arith.constant 0 : index
    %get3A_3 = vector.load %arg1[%get3A, %get3A_0, %get3A_1, %get3A_2] : memref<1x3x226x226xf32, #tpu.memory_space<vmem>>, vector<1x3x226x226xf32>
    %get3A_4 = vector.shape_cast %get3A_3 : vector<1x3x226x226xf32> to vector<3x226x226xf32>
    %slice3A = vector.extract_strided_slice %get3A_4 {offsets = [0, 0, 0], sizes = [3, 224, 224], strides = [1, 1, 1]} : vector<3x226x226xf32> to vector<3x224x224xf32>
    %slice3A_5 = vector.extract_strided_slice %get3A_4 {offsets = [0, 0, 1], sizes = [3, 224, 224], strides = [1, 1, 1]} : vector<3x226x226xf32> to vector<3x224x224xf32>
    %slice3A_6 = vector.extract_strided_slice %get3A_4 {offsets = [0, 0, 2], sizes = [3, 224, 224], strides = [1, 1, 1]} : vector<3x226x226xf32> to vector<3x224x224xf32>
    %slice3A_7 = vector.extract_strided_slice %get3A_4 {offsets = [0, 1, 0], sizes = [3, 224, 224], strides = [1, 1, 1]} : vector<3x226x226xf32> to vector<3x224x224xf32>
    %slice3A_8 = vector.extract_strided_slice %get3A_4 {offsets = [0, 1, 1], sizes = [3, 224, 224], strides = [1, 1, 1]} : vector<3x226x226xf32> to vector<3x224x224xf32>
    %slice3A_9 = vector.extract_strided_slice %get3A_4 {offsets = [0, 1, 2], sizes = [3, 224, 224], strides = [1, 1, 1]} : vector<3x226x226xf32> to vector<3x224x224xf32>
    %slice3A_10 = vector.extract_strided_slice %get3A_4 {offsets = [0, 2, 0], sizes = [3, 224, 224], strides = [1, 1, 1]} : vector<3x226x226xf32> to vector<3x224x224xf32>
    %slice3A_11 = vector.extract_strided_slice %get3A_4 {offsets = [0, 2, 1], sizes = [3, 224, 224], strides = [1, 1, 1]} : vector<3x226x226xf32> to vector<3x224x224xf32>
    %slice3A_12 = vector.extract_strided_slice %get3A_4 {offsets = [0, 2, 2], sizes = [3, 224, 224], strides = [1, 1, 1]} : vector<3x226x226xf32> to vector<3x224x224xf32>
    %stack3A = vector.shape_cast %slice3A : vector<3x224x224xf32> to vector<1x3x224x224xf32>
    %stack3A_13 = vector.shape_cast %slice3A_5 : vector<3x224x224xf32> to vector<1x3x224x224xf32>
    %stack3A_14 = vector.shape_cast %slice3A_6 : vector<3x224x224xf32> to vector<1x3x224x224xf32>
    %stack3A_15 = vector.shape_cast %slice3A_7 : vector<3x224x224xf32> to vector<1x3x224x224xf32>
    %stack3A_16 = vector.shape_cast %slice3A_8 : vector<3x224x224xf32> to vector<1x3x224x224xf32>
    %stack3A_17 = vector.shape_cast %slice3A_9 : vector<3x224x224xf32> to vector<1x3x224x224xf32>
    %stack3A_18 = vector.shape_cast %slice3A_10 : vector<3x224x224xf32> to vector<1x3x224x224xf32>
    %stack3A_19 = vector.shape_cast %slice3A_11 : vector<3x224x224xf32> to vector<1x3x224x224xf32>
    %stack3A_20 = vector.shape_cast %slice3A_12 : vector<3x224x224xf32> to vector<1x3x224x224xf32>
    %stack3A_21 = tpu.concatenate %stack3A, %stack3A_13, %stack3A_14, %stack3A_15, %stack3A_16, %stack3A_17, %stack3A_18, %stack3A_19, %stack3A_20 in 0 : vector<1x3x224x224xf32>, vector<1x3x224x224xf32>, vector<1x3x224x224xf32>, vector<1x3x224x224xf32>, vector<1x3x224x224xf32>, vector<1x3x224x224xf32>, vector<1x3x224x224xf32>, vector<1x3x224x224xf32>, vector<1x3x224x224xf32> -> vector<9x3x224x224xf32>
    %reshape3A = vector.shape_cast %stack3A_21 : vector<9x3x224x224xf32> to vector<27x50176xf32>
    %get3A_22 = arith.constant 0 : index
    %get3A_23 = arith.constant 0 : index
    %get3A_24 = vector.load %arg2[%get3A_22, %get3A_23] : memref<64x27xf32, #tpu.memory_space<vmem>>, vector<64x27xf32>
    %dot_general3A = arith.constant dense<0.000000e+00> : vector<64x50176xf32>
    %dot_general3A_25 = tpu.matmul %get3A_24, %reshape3A, %dot_general3A {dimension_numbers = #tpu.dot_dimension_numbers<[1], [0], [0], [1], [0, 0, 1, 1], [], []>, transpose_lhs_hint = false} : vector<64x27xf32>, vector<27x50176xf32>, vector<64x50176xf32> -> vector<64x50176xf32>
    %get3A_26 = arith.constant 0 : index
    %get3A_27 = arith.constant 0 : index
    %get3A_28 = vector.load %arg3[%get3A_26, %get3A_27] : memref<64x1xf32, #tpu.memory_space<vmem>>, vector<64x1xf32>
    %add3A = vector.broadcast %get3A_28 : vector<64x1xf32> to vector<64x50176xf32>
    %add3A_29 = arith.addf %dot_general3A_25, %add3A : vector<64x50176xf32>
    %argmax3A = tpu.reduce_index %add3A_29 {axis = 0 : i32, kind = #tpu.reduction_kind<arg_max>} : vector<64x50176xf32> -> vector<50176xi32>
    %swap3A = arith.constant 0 : index
    %swap3A_30 = arith.constant 0 : index
    %swap3A_31 = arith.constant 0 : index
    %swap3A_32 = vector.load %arg6[%swap3A, %swap3A_30, %swap3A_31] : memref<1x1x50176xi32, #tpu.memory_space<vmem>>, vector<1x1x50176xi32>
    %swap3A_33 = vector.shape_cast %swap3A_32 : vector<1x1x50176xi32> to vector<50176xi32>
    %swap3A_34 = vector.shape_cast %argmax3A : vector<50176xi32> to vector<1x1x50176xi32>
    tpu.vector_store %arg6[%swap3A, %swap3A_30, %swap3A_31], %swap3A_34 {strides = array<i32>} : memref<1x1x50176xi32, #tpu.memory_space<vmem>>, vector<1x1x50176xi32>,
    %eq3A = arith.constant 0 : i32
    %eq3A_35 = arith.cmpi eq, %arg0, %eq3A : i32
    %convert_element_type3A = arith.extui %eq3A_35 : i1 to i32
    %cond3A = arith.constant 0 : i32
    %cond3A_36 = arith.cmpi ne, %convert_element_type3A, %cond3A : i32
    scf.if %cond3A_36 {
      %get3A_37 = arith.constant 0 : index
      %get3A_38 = arith.constant 0 : index
      %get3A_39 = vector.load %arg4[%get3A_37, %get3A_38] : memref<1x96xf32, #tpu.memory_space<vmem>>, vector<1x96xf32>
      %get3A_40 = arith.constant 0 : index
      %get3A_41 = arith.constant 0 : index
      %get3A_42 = vector.load %arg5[%get3A_40, %get3A_41] : memref<96x768xf32, #tpu.memory_space<vmem>>, vector<96x768xf32>
      %dot_general3A_43 = arith.constant dense<0.000000e+00> : vector<1x768xf32>
      %dot_general3A_44 = tpu.matmul %get3A_39, %get3A_42, %dot_general3A_43 {dimension_numbers = #tpu.dot_dimension_numbers<[1], [0], [0], [1], [0, 0, 1, 1], [], []>, transpose_lhs_hint = false} : vector<1x96xf32>, vector<96x768xf32>, vector<1x768xf32> -> vector<1x768xf32>
      %swap3A_45 = arith.constant 0 : index
      %swap3A_46 = arith.constant 0 : index
      %swap3A_47 = vector.load %arg7[%swap3A_45, %swap3A_46] : memref<1x768xf32, #tpu.memory_space<vmem>>, vector<1x768xf32>
      tpu.vector_store %arg7[%swap3A_45, %swap3A_46], %dot_general3A_44 {strides = array<i32>} : memref<1x768xf32, #tpu.memory_space<vmem>>, vector<1x768xf32>,
    } else {
    }
    return
  }
  func.func @transform_0(%arg0: i32) -> (i32, i32, i32, i32) {
    %c0_i32 = arith.constant 0 : i32
    %c0_i32_0 = arith.constant 0 : i32
    %c0_i32_1 = arith.constant 0 : i32
    %c0_i32_2 = arith.constant 0 : i32
    return %arg0, %c0_i32, %c0_i32_0, %c0_i32_1 : i32, i32, i32, i32
  }
  func.func @transform_1(%arg0: i32) -> (i32, i32) {
    %c0_i32 = arith.constant 0 : i32
    %c0_i32_0 = arith.constant 0 : i32
    %c0_i32_1 = arith.constant 0 : i32
    return %c0_i32, %c0_i32_0 : i32, i32
  }
  func.func @transform_2(%arg0: i32) -> (i32, i32) {
    %c0_i32 = arith.constant 0 : i32
    %c0_i32_0 = arith.constant 0 : i32
    %c0_i32_1 = arith.constant 0 : i32
    return %c0_i32, %c0_i32_0 : i32, i32
  }
  func.func @transform_3(%arg0: i32) -> (i32, i32) {
    %c0_i32 = arith.constant 0 : i32
    %c0_i32_0 = arith.constant 0 : i32
    %c0_i32_1 = arith.constant 0 : i32
    return %c0_i32, %c0_i32_0 : i32, i32
  }
  func.func @transform_4(%arg0: i32) -> (i32, i32) {
    %c0_i32 = arith.constant 0 : i32
    %c0_i32_0 = arith.constant 0 : i32
    %c0_i32_1 = arith.constant 0 : i32
    return %c0_i32, %c0_i32_0 : i32, i32
  }
  func.func @transform_5(%arg0: i32) -> (i32, i32, i32) {
    %c0_i32 = arith.constant 0 : i32
    %c0_i32_0 = arith.constant 0 : i32
    %c0_i32_1 = arith.constant 0 : i32
    return %arg0, %c0_i32, %c0_i32_0 : i32, i32, i32
  }
  func.func @transform_6(%arg0: i32) -> (i32, i32) {
    %c0_i32 = arith.constant 0 : i32
    %c0_i32_0 = arith.constant 0 : i32
    %c0_i32_1 = arith.constant 0 : i32
    return %c0_i32, %c0_i32_0 : i32, i32
  }
}

module attributes {stable_mosaic.version = 14 : i64} {
  func.func @_k5_body(%arg0: i32, %arg1: memref<1x8x64x768xf32, #tpu.memory_space<vmem>>, %arg2: memref<1x8x64xf32, #tpu.memory_space<vmem>>, %arg3: memref<768x96xf32, #tpu.memory_space<vmem>>, %arg4: memref<1x96xf32, #tpu.memory_space<vmem>>, %arg5: memref<96x768xf32, #tpu.memory_space<vmem>>, %arg6: memref<1x768xf32, #tpu.memory_space<vmem>>, %arg7: memref<1x49x768xf32, #tpu.memory_space<vmem>>) attributes {dimension_semantics = [#tpu.dimension_semantics<arbitrary>], iteration_bounds = array<i64: 4>, scalar_prefetch = 0 : i64, scratch_operands = 0 : i64, tpu.core_type = #tpu.core_type<tc>, window_params = [{transform_indices = @transform_0, window_bounds = array<i64: 1, 8, 64, 768>}, {transform_indices = @transform_1, window_bounds = array<i64: 1, 8, 64>}, {pipeline_mode = #tpu.pipeline_mode<synchronous>, transform_indices = @transform_2, window_bounds = array<i64: 768, 96>}, {pipeline_mode = #tpu.pipeline_mode<synchronous>, transform_indices = @transform_3, window_bounds = array<i64: 1, 96>}, {pipeline_mode = #tpu.pipeline_mode<synchronous>, transform_indices = @transform_4, window_bounds = array<i64: 96, 768>}, {pipeline_mode = #tpu.pipeline_mode<synchronous>, transform_indices = @transform_5, window_bounds = array<i64: 1, 768>}, {transform_indices = @transform_6, window_bounds = array<i64: 1, 49, 768>}]} {
    %get3A = arith.constant 0 : index
    %get3A_0 = arith.constant 0 : index
    %get3A_1 = arith.constant 0 : index
    %get3A_2 = arith.constant 0 : index
    %get3A_3 = vector.load %arg1[%get3A, %get3A_0, %get3A_1, %get3A_2] : memref<1x8x64x768xf32, #tpu.memory_space<vmem>>, vector<1x8x64x768xf32>
    %get3A_4 = vector.shape_cast %get3A_3 : vector<1x8x64x768xf32> to vector<8x64x768xf32>
    %reduce_sum3A = arith.constant dense<0.000000e+00> : vector<64x768xf32>
    %reduce_sum3A_5 = vector.multi_reduction <add>, %get3A_4, %reduce_sum3A [0] : vector<8x64x768xf32> to vector<64x768xf32>
    %get3A_6 = arith.constant 0 : index
    %get3A_7 = arith.constant 0 : index
    %get3A_8 = vector.load %arg3[%get3A_6, %get3A_7] : memref<768x96xf32, #tpu.memory_space<vmem>>, vector<768x96xf32>
    %dot_general3A = arith.constant dense<0.000000e+00> : vector<64x96xf32>
    %dot_general3A_9 = tpu.matmul %reduce_sum3A_5, %get3A_8, %dot_general3A {dimension_numbers = #tpu.dot_dimension_numbers<[1], [0], [0], [1], [0, 0, 1, 1], [], []>, transpose_lhs_hint = false} : vector<64x768xf32>, vector<768x96xf32>, vector<64x96xf32> -> vector<64x96xf32>
    %get3A_10 = arith.constant 0 : index
    %get3A_11 = arith.constant 0 : index
    %get3A_12 = vector.load %arg4[%get3A_10, %get3A_11] : memref<1x96xf32, #tpu.memory_space<vmem>>, vector<1x96xf32>
    %add3A = vector.broadcast %get3A_12 : vector<1x96xf32> to vector<64x96xf32>
    %add3A_13 = arith.addf %dot_general3A_9, %add3A : vector<64x96xf32>
    %get3A_14 = arith.constant 0 : index
    %get3A_15 = arith.constant 0 : index
    %get3A_16 = vector.load %arg5[%get3A_14, %get3A_15] : memref<96x768xf32, #tpu.memory_space<vmem>>, vector<96x768xf32>
    %dot_general3A_17 = arith.constant dense<0.000000e+00> : vector<64x768xf32>
    %dot_general3A_18 = tpu.matmul %add3A_13, %get3A_16, %dot_general3A_17 {dimension_numbers = #tpu.dot_dimension_numbers<[1], [0], [0], [1], [0, 0, 1, 1], [], []>, transpose_lhs_hint = false} : vector<64x96xf32>, vector<96x768xf32>, vector<64x768xf32> -> vector<64x768xf32>
    %get3A_19 = arith.constant 0 : index
    %get3A_20 = arith.constant 0 : index
    %get3A_21 = vector.load %arg6[%get3A_19, %get3A_20] : memref<1x768xf32, #tpu.memory_space<vmem>>, vector<1x768xf32>
    %add3A_22 = vector.broadcast %get3A_21 : vector<1x768xf32> to vector<64x768xf32>
    %add3A_23 = arith.addf %dot_general3A_18, %add3A_22 : vector<64x768xf32>
    %get3A_24 = arith.constant 0 : index
    %get3A_25 = arith.constant 0 : index
    %get3A_26 = arith.constant 0 : index
    %get3A_27 = vector.load %arg2[%get3A_24, %get3A_25, %get3A_26] : memref<1x8x64xf32, #tpu.memory_space<vmem>>, vector<1x8x64xf32>
    %get3A_28 = vector.shape_cast %get3A_27 : vector<1x8x64xf32> to vector<8x64xf32>
    %reduce_sum3A_29 = arith.constant dense<0.000000e+00> : vector<64xf32>
    %reduce_sum3A_30 = vector.multi_reduction <add>, %get3A_28, %reduce_sum3A_29 [0] : vector<8x64xf32> to vector<64xf32>
    %gt3A = arith.constant 5.000000e-01 : f32
    %gt3A_31 = vector.broadcast %gt3A : f32 to vector<64xf32>
    %gt3A_32 = arith.cmpf ogt, %reduce_sum3A_30, %gt3A_31 : vector<64xf32>
    %convert_element_type3A = arith.extui %gt3A_32 : vector<64xi1> to vector<64xi32>
    %convert_element_type3A_33 = arith.sitofp %convert_element_type3A : vector<64xi32> to vector<64xf32>
    %broadcast_in_dim3A = vector.shape_cast %convert_element_type3A_33 : vector<64xf32> to vector<1x64xf32>
    %iota3A = tpu.iota {dimensions = array<i32: 0>} : vector<64x64xi32>
    %iota3A_34 = tpu.iota {dimensions = array<i32: 1>} : vector<64x64xi32>
    %le3A = arith.cmpi sle, %iota3A_34, %iota3A : vector<64x64xi32>
    %jit3A = arith.constant 0.000000e+00 : f32
    %broadcast_in_dim3A_35 = vector.shape_cast %broadcast_in_dim3A : vector<1x64xf32> to vector<1x64xf32>
    %broadcast_in_dim3A_36 = vector.broadcast %broadcast_in_dim3A_35 : vector<1x64xf32> to vector<64x64xf32>
    %broadcast_in_dim3A_37 = vector.broadcast %jit3A : f32 to vector<64x64xf32>
    %select_n3A = arith.select %le3A, %broadcast_in_dim3A_36, %broadcast_in_dim3A_37 : vector<64x64xi1>, vector<64x64xf32>
    %reduce_sum3A_38 = arith.constant dense<0.000000e+00> : vector<64xf32>
    %reduce_sum3A_39 = vector.multi_reduction <add>, %select_n3A, %reduce_sum3A_38 [1] : vector<64x64xf32> to vector<64xf32>
    %broadcast_in_dim3A_40 = vector.shape_cast %reduce_sum3A_39 : vector<64xf32> to vector<1x64xf32>
    %sub3A = arith.constant 1.000000e+00 : f32
    %sub3A_41 = vector.broadcast %sub3A : f32 to vector<1x64xf32>
    %sub3A_42 = arith.subf %broadcast_in_dim3A_40, %sub3A_41 : vector<1x64xf32>
    %convert_element_type3A_43 = arith.sitofp %iota3A : vector<64x64xi32> to vector<64x64xf32>
    %eq3A = vector.broadcast %sub3A_42 : vector<1x64xf32> to vector<64x64xf32>
    %eq3A_44 = arith.cmpf oeq, %eq3A, %convert_element_type3A_43 : vector<64x64xf32>
    %broadcast_in_dim3A_45 = vector.shape_cast %gt3A_32 : vector<64xi1> to vector<1x64xi1>
    %and3A = vector.broadcast %broadcast_in_dim3A_45 : vector<1x64xi1> to vector<64x64xi1>
    %and3A_46 = arith.andi %eq3A_44, %and3A : vector<64x64xi1>
    %jit3A_47 = arith.constant 1.000000e+00 : f32
    %jit3A_48 = arith.constant 0.000000e+00 : f32
    %broadcast_in_dim3A_49 = vector.broadcast %jit3A_47 : f32 to vector<64x64xf32>
    %broadcast_in_dim3A_50 = vector.broadcast %jit3A_48 : f32 to vector<64x64xf32>
    %select_n3A_51 = arith.select %and3A_46, %broadcast_in_dim3A_49, %broadcast_in_dim3A_50 : vector<64x64xi1>, vector<64x64xf32>
    %dot_general3A_52 = arith.constant dense<0.000000e+00> : vector<64x768xf32>
    %dot_general3A_53 = tpu.matmul %select_n3A_51, %add3A_23, %dot_general3A_52 {dimension_numbers = #tpu.dot_dimension_numbers<[1], [0], [0], [1], [0, 0, 1, 1], [], []>, transpose_lhs_hint = false} : vector<64x64xf32>, vector<64x768xf32>, vector<64x768xf32> -> vector<64x768xf32>
    %slice3A = vector.extract_strided_slice %dot_general3A_53 {offsets = [0, 0], sizes = [49, 768], strides = [1, 1]} : vector<64x768xf32> to vector<49x768xf32>
    %swap3A = arith.constant 0 : index
    %swap3A_54 = arith.constant 0 : index
    %swap3A_55 = arith.constant 0 : index
    %swap3A_56 = vector.load %arg7[%swap3A, %swap3A_54, %swap3A_55] : memref<1x49x768xf32, #tpu.memory_space<vmem>>, vector<1x49x768xf32>
    %swap3A_57 = vector.shape_cast %swap3A_56 : vector<1x49x768xf32> to vector<49x768xf32>
    %swap3A_58 = vector.shape_cast %slice3A : vector<49x768xf32> to vector<1x49x768xf32>
    tpu.vector_store %arg7[%swap3A, %swap3A_54, %swap3A_55], %swap3A_58 {strides = array<i32>} : memref<1x49x768xf32, #tpu.memory_space<vmem>>, vector<1x49x768xf32>,
    return
  }
  func.func @transform_0(%arg0: i32) -> (i32, i32, i32, i32) {
    %c0_i32 = arith.constant 0 : i32
    %c0_i32_0 = arith.constant 0 : i32
    %c0_i32_1 = arith.constant 0 : i32
    %c0_i32_2 = arith.constant 0 : i32
    return %arg0, %c0_i32, %c0_i32_0, %c0_i32_1 : i32, i32, i32, i32
  }
  func.func @transform_1(%arg0: i32) -> (i32, i32, i32) {
    %c0_i32 = arith.constant 0 : i32
    %c0_i32_0 = arith.constant 0 : i32
    %c0_i32_1 = arith.constant 0 : i32
    return %arg0, %c0_i32, %c0_i32_0 : i32, i32, i32
  }
  func.func @transform_2(%arg0: i32) -> (i32, i32) {
    %c0_i32 = arith.constant 0 : i32
    %c0_i32_0 = arith.constant 0 : i32
    %c0_i32_1 = arith.constant 0 : i32
    return %c0_i32, %c0_i32_0 : i32, i32
  }
  func.func @transform_3(%arg0: i32) -> (i32, i32) {
    %c0_i32 = arith.constant 0 : i32
    %c0_i32_0 = arith.constant 0 : i32
    %c0_i32_1 = arith.constant 0 : i32
    return %c0_i32, %c0_i32_0 : i32, i32
  }
  func.func @transform_4(%arg0: i32) -> (i32, i32) {
    %c0_i32 = arith.constant 0 : i32
    %c0_i32_0 = arith.constant 0 : i32
    %c0_i32_1 = arith.constant 0 : i32
    return %c0_i32, %c0_i32_0 : i32, i32
  }
  func.func @transform_5(%arg0: i32) -> (i32, i32) {
    %c0_i32 = arith.constant 0 : i32
    %c0_i32_0 = arith.constant 0 : i32
    %c0_i32_1 = arith.constant 0 : i32
    return %c0_i32, %c0_i32_0 : i32, i32
  }
  func.func @transform_6(%arg0: i32) -> (i32, i32, i32) {
    %c0_i32 = arith.constant 0 : i32
    %c0_i32_0 = arith.constant 0 : i32
    %c0_i32_1 = arith.constant 0 : i32
    return %arg0, %c0_i32, %c0_i32_0 : i32, i32, i32
  }
}

</mosaic_0001>

<sc_bundles>
// kernel: kernel.5.cloned.1.call-start
scs
__scs_entry_jumppad:
0x0: {  	(pc) =	sbr.rel $0x88, $3  }
0x1: {  	(tag) =	ssettag $0x0;
	lr =	simm.s32 $0x1  }
0x2: {  	[smem:$0x3F99] =	sst lr;
	_ =	strace $0xD0000000  }
0x3: {  	_ = 	snop  }
0x4: {  	_ = 	snop  }
0x5: {  	_ = 	snop  }
0x6: {  	_ = 	snop  }
0x7: {  	_ = 	snop  }
__scs_overlays_trampoline_lowered:
0x8: {  	[smem:$0x3FA8] =	sst s0  }
0x9: {  	[smem:$0x3FA9] =	sst s1  }
0xa: {  	[smem:$0x3FAA] =	sst s2  }
0xb: {  	[smem:$0x3FAB] =	sst s3  }
0xc: {  	[smem:$0x3FAC] =	sst s4  }
0xd: {  	[smem:$0x3FAD] =	sst s5  }
0xe: {  	[smem:$0x3FAE] =	sst s6  }
0xf: {  	[smem:$0x3FAF] =	sst s7  }
0x10: {  	[smem:$0x3FB0] =	sst s8  }
0x11: {  	[smem:$0x3FB1] =	sst s9;
	s0 =	simm.s32 @!p0 $0x0  }
0x12: {  	s1 =	sld [smem:$0x3F97];
	s0 =	simm.s32 @p0 $0x1  }
0x13: {  	[smem:$0x3FB2] =	sst s0;
	s0 =	simm.s32 @!p1 $0x0  }
0x14: {  	s2 =	sld [smem:$0x3F96];
	s0 =	simm.s32 @p1 $0x1  }
0x15: {  	[smem:$0x3FB3] =	sst s0;
	s0 =	simm.s32 @!p2 $0x0  }
0x16: {  	s3 =	sld [smem:$0x3FDB];
	s0 =	simm.s32 @p2 $0x1  }
0x17: {  	s4 =	simm.s32 $0x1BF5;
	[smem:$0x3FB5] =	sst s0  }
0x18: {  	s0 =	sld [smem:$0x3F98];
	_ =	swait.ge [sflag:s4], $0x0  }
0x19: {  	s7 =	sld [smem:$0x3F99]  }
0x1a: {  	s8 =	sadd.s32 $0xFFFFE003, lr  }
0x1b: {  	s9 =	sadd.s32 $0xFFFFFEF7, lr;
	s5 =	simm.s32 $0xFFFFFFFF;
	p2 =	slt.u32 s8, $0xFFFFF086  }
0x1c: {  	p1 =	slt.u32 s9, $0xF7A;
	s5 =	simm.s32 @!p2 $0x0  }
0x1d: {  	s5 =	simm.s32 @p1 $0x1;
	p0 =	seq.s32 s7, s2  }
0x1e: {  	s7 =	smul.u32 @!p0 $0xF7A, s2;
	p2 =	seq.s32 @!p0 s5, $0x0  }
0x1f: {  	s9 =	smul.u32 $0xF7A, s1;
	s8 =	simm.s32 @!p0 $0x1BF5;
	p2 =	por !p2, p0  }
0x20: {  	[sflag:s8] =	ssyncset.s32 @!p0 $0xFFFFF086;
	s6 =	sadd.s32 @!p0 s3, s7;
	s7 =	simm.s32 @!p0 $0x108  }
0x21: {  	s3 =	sadd.s32 s3, s9;
	s6 =	sadd.s32 @!p0 $0x88, s6;
	s7 =	simm.s32 @p2 $0x1082  }
0x22: {  	[simem:s7], [sflag:s8] =	dma.local @!p0 [hbm:s6], $0xF7A  }
0x23: {  	s9 =	sor.u32 $0xD0000000, s2;
	s6 =	simm.s32 $0x108;
	_ =	swait.ge @!p0 [sflag:s8], $0x0  }
0x24: {  	s3 =	sadd.s32 $0x88, s3;
	s6 =	simm.s32 @!p1 $0x1082;
	[sflag:s4] =	ssyncset.s32 $0xFFFFF086  }
0x25: {  	[simem:s6], [sflag:s4] =	dma.local [hbm:s3], $0xF7A  }
0x26: {  	[smem:$0x3F99] =	sst s1;
	(tag) =	ssettag s2;
	_ =	strace s9  }
0x27: {  	s1 =	sld [smem:$0x3FA9]  }
0x28: {  	s2 =	sld [smem:$0x3FAA]  }
0x29: {  	s4 =	sld [smem:$0x3FAC]  }
0x2a: {  	p0 =	seq.s32 s5, $0x0;
	s5 =	sld [smem:$0x3FAD]  }
0x2b: {  	s6 =	sld [smem:$0x3FAE]  }
0x2c: {  	s7 =	sld [smem:$0x3FAF]  }
0x2d: {  	s3 =	simm.s32 $0x108;
	s8 =	sld [smem:$0x3FB0]  }
0x2e: {  	s3 =	simm.s32 @!p0 $0x1082;
	s9 =	sld [smem:$0x3FB1]  }
0x2f: {  	lr =	sadd.s32 s0, s3;
	s0 =	sld [smem:$0x3FA8]  }
0x30: {  	s3 =	sld [smem:$0x3FAB]  }
0x31: {  	[smem:$0x3FB4] =	sst s10  }
0x32: {  	s10 =	sld [smem:$0x3FB2];
	_ =	sdelay $0x3  }
0x33: {  	p0 =	seq.s32 s10, $0x1;
	s10 =	sld [smem:$0x3FB4];
	_ =	sdelay $0x3  }
0x34: {  	[smem:$0x3FB4] =	sst s10  }
0x35: {  	s10 =	sld [smem:$0x3FB3];
	_ =	sdelay $0x3  }
0x36: {  	p1 =	seq.s32 s10, $0x1;
	s10 =	sld [smem:$0x3FB4];
	_ =	sdelay $0x3  }
0x37: {  	[smem:$0x3FB4] =	sst s10  }
0x38: {  	s10 =	sld [smem:$0x3FB5]  }
0x39: {  	_ = 	snop;
	(pc) =	sbr.ind lr, $3  }
0x3a: {  	_ = 	snop  }
0x3b: {  	_ = 	snop  }
0x3c: {  	p2 =	seq.s32 s10, $0x1;
	s10 =	sld [smem:$0x3FB4]  }
0x3d: {  	_ =	shalt  }
0x3e: {  	_ =	shalt  }
0x3f: {  	_ =	shalt  }
0x40: {  	_ =	shalt  }
0x41: {  	_ =	shalt  }
0x42: {  	_ =	shalt  }
0x43: {  	_ =	shalt  }
0x44: {  	_ =	shalt  }
0x45: {  	_ =	shalt  }
0x46: {  	_ =	shalt  }
0x47: {  	_ =	shalt  }
0x48: {  	_ =	shalt  }
0x49: {  	_ =	shalt  }
0x4a: {  	_ =	shalt  }
0x4b: {  	_ =	shalt  }
0x4c: {  	_ =	shalt  }
0x4d: {  	_ =	shalt  }
0x4e: {  	_ =	shalt  }
0x4f: {  	_ =	shalt  }
0x50: {  	_ =	shalt  }
0x51: {  	_ =	shalt  }
0x52: {  	_ =	shalt  }
0x53: {  	_ =	shalt  }
0x54: {  	_ =	shalt  }
0x55: {  	_ =	shalt  }
0x56: {  	_ =	shalt  }
0x57: {  	_ =	shalt  }
0x58: {  	_ =	shalt  }
0x59: {  	_ =	shalt  }
0x5a: {  	_ =	shalt  }
0x5b: {  	_ =	shalt  }
0x5c: {  	_ =	shalt  }
0x5d: {  	_ =	shalt  }
0x5e: {  	_ =	shalt  }
0x5f: {  	_ =	shalt  }
0x60: {  	_ =	shalt  }
0x61: {  	_ =	shalt  }
0x62: {  	_ =	shalt  }
0x63: {  	_ =	shalt  }
0x64: {  	_ =	shalt  }
0x65: {  	_ =	shalt  }
0x66: {  	_ =	shalt  }
0x67: {  	_ =	shalt  }
0x68: {  	_ =	shalt  }
0x69: {  	_ =	shalt  }
0x6a: {  	_ =	shalt  }
0x6b: {  	_ =	shalt  }
0x6c: {  	_ =	shalt  }
0x6d: {  	_ =	shalt  }
0x6e: {  	_ =	shalt  }
0x6f: {  	_ =	shalt  }
0x70: {  	_ =	shalt  }
0x71: {  	_ =	shalt  }
0x72: {  	_ =	shalt  }
0x73: {  	_ =	shalt  }
0x74: {  	_ =	shalt  }
0x75: {  	_ =	shalt  }
0x76: {  	_ =	shalt  }
0x77: {  	_ =	shalt  }
0x78: {  	_ =	shalt  }
0x79: {  	_ =	shalt  }
0x7a: {  	_ =	shalt  }
0x7b: {  	_ =	shalt  }
0x7c: {  	_ =	shalt  }
0x7d: {  	_ =	shalt  }
0x7e: {  	_ =	shalt  }
0x7f: {  	_ =	shalt  }
0x80: {  	_ =	shalt  }
0x81: {  	_ =	shalt  }
0x82: {  	_ =	shalt  }
0x83: {  	_ =	shalt  }
0x84: {  	_ =	shalt  }
0x85: {  	_ =	shalt  }
0x86: {  	_ =	shalt  }
0x87: {  	_ =	shalt  }
.Lfunc_end0:
.L_simem_size_0:
called_computation_lowered:
.L_overlay_start_0:
0x88: {  	s2 =	sld [smem:$0x3FD9]  }
0x89: {  	s3 =	sld [smem:$0x3FFE];
	_ =	sdelay $0x1  }
0x8a: {  	s1 =	srdreg.scid  }
0x8b: {  	s0 =	sand.u32 $0x1, s1  }
0x8c: {  	s17 =	sshll.u32 s0, $0xA;
	s2 =	sadd.s32 s3, s2  }
0x8d: {  	s2 =	sadd.s32 s2, s17  }
0x8e: {  	[smem:$0x3FC0] =	sst s2  }
0x8f: {  	_ = 	snop  }
0x90: {  	s2 =	sld [smem:$0x3FD0];
	(tm) =	ssettm $0x1  }
0x91: {  	s18 =	sld [smem:$0x3FFB];
	_ =	sdelay $0x3  }
0x92: {  	_ =	strace s18  }
0x93: {  	s3 =	sld [smem:$0x3FFC];
	_ =	sdelay $0x3  }
0x94: {  	_ =	strace s3  }
0x95: {  	s3 =	sld [smem:$0x3FFD];
	_ =	sdelay $0x3  }
0x96: {  	_ =	strace s3  }
0x97: {  	_ =	strace $0x8FFFFFFF  }
0x98: {  	s19 =	sld [smem:$0x3FDB];
	_ =	sdelay $0x1  }
0x99: {  	s4 =	simm.s32 $_scs_section_size  }
0x9a: {  	s5 =	simm.s32 $_size__tile_overlayer_lowered;
	s6 =	simm.s32 $_tile_overlayer_lowered  }
0x9b: {  	s22 =	simm.s32 $0x1BFF;
	s21 =	sshll.u32 s6, $0x1;
	s3 =	sadd.s32 s4, s19  }
0x9c: {  	s7 =	simm.s32 $0x0;
	s20 =	sshll.u32 s5, $0x1;
	s5 =	sadd.s32 s21, s3  }
0x9d: {  	[timem:s7], [sflag:s22] =	dma.local [hbm:s5], s20  }
0x9e: {  	_ =	swait.ge [sflag:s22], s20  }
0x9f: {  	s4 =	ssub.s32 $0x0, s20;
	[sflag:s22] =	ssyncset.done $0x0  }
0xa0: {  	[sflag:s22] =	ssyncadd.s32 s4;
	_ =	sdelay $0x1  }
0xa1: {  	s23 =	simm.s32 $0x1B8B  }
0xa2: {  	_ =	swait.ge [sflag:s23], $0x1  }
0xa3: {  	[sflag:s23] =	ssyncset.done $0x0  }
0xa4: {  	s25 =	simm.s32 $0x1B8E;
	s24 =	sld [smem:$0x3FFE];
	[sflag:s23] =	ssyncadd.s32 $0xFFFFFFFF  }
0xa5: {  	s26 =	simm.s32 $execute0_lowered;
	[smem:$0x3FD2] =	sst s25  }
0xa6: {  	s5 =	sshll.u32 s26, $0x1;
	_ =	strace $0x80000046;
	[dreg:$0x1] =	wrdreg $0xFFFFFFFF  }
0xa7: {  	s28 =	simm.s32 $_size_execute0_lowered;
	s3 =	sadd.s32 s3, s5;
	[dreg:$0x0] =	wrdreg $0x0  }
0xa8: {  	s5 =	sshll.u32 s28, $0x1;
	[dreg:$0x2] =	wrdreg s3  }
0xa9: {  	[dreg:$0x3] =	wrdreg s5  }
0xaa: {  	[dreg:$0x4] =	wrdreg $0xC0  }
0xab: {  	_ =	task [dreg:s7], $0x5FFFF  }
0xac: {  	[dreg:$0x1] =	wrdreg $0xFFFFFFFF  }
0xad: {  	[dreg:$0x0] =	wrdreg $0x60  }
0xae: {  	[dreg:$0x2] =	wrdreg s24  }
0xaf: {  	[dreg:$0x3] =	wrdreg s2  }
0xb0: {  	[dreg:$0x4] =	wrdreg $0x1CE800  }
0xb1: {  	[dreg:$0x5] =	wrdreg $0x9  }
0xb2: {  	_ =	task.clear_ibuf [dreg:s7], $0x6FFFF;
	_ =	strace $0x90000046  }
0xb3: {  	s29 =	simm.s32 $0x9;
	_ =	strace $0x80000048  }
0xb4: {  	_ =	swait.ge [sflag:s29], $0x1  }
0xb5: {  	[sflag:s29] =	ssyncadd.s32 $0xFFFFFFFF  }
0xb6: {  	_ =	strace $0x90000048  }
0xb7: {  	_ =	sfence  }
0xb8: {  	s30 =	sld [smem:$0x0];
	_ =	sdelay $0x2  }
0xb9: {  	s31 =	sshll.u32 s1, $0xD;
	s1 =	sshrl.u32 s1, $0x2  }
0xba: {  	s3 =	sand.u32 $0x4000, s31;
	s1 =	sadd.s32 s1, s30  }
0xbb: {  	s0 =	sor.u32 s3, s0;
	s1 =	sshll.u32 s1, $0x11  }
0xbc: {  	s0 =	sor.u32 s1, s0  }
0xbd: {  	s0 =	sadd.s32 $0x8F2B, s0  }
0xbe: {  	[sflag:s0] =	ssyncadd.remote.s32 $0x1  }
0xbf: {  	_ =	sfence.sel $0xFFFF  }
0xc0: {  	[dreg:$0x0] =	wrdreg $0xFFFFFFFF;
	(pc) =	sbr.abs _section_cstart, $3  }
0xc1: {  	[dreg:$0x1] =	wrdreg $0xFFFFFFFF  }
0xc2: {  	_ =	task.clear_ibuf [dreg:s7], $0x2FFFF;
	_ =	strace $0x9FFFFFFF  }
0xc3: {  	(tm) =	ssettm $0x7FFFFFFF  }
tec
execute0_lowered:
.L_overlay_start_1:
0x0: {  	(tag) =	ssettag $0x1  }
0x1: {  	s0 =	srdreg.scid  }
0x2: {  	s18 =	stileid.u32;
	s1 =	simm.s32 $0x1;
	s10 =	rddreg [dreg:$0x1]  }
0x3: {  	s17 =	simm.s32 $0x6;
	s28 =	simm.s32 $0x2;
	s9 =	sand.u32 $0x7, s18  }
0x4: {  	s29 =	simm.s32 $0x9300;
	s30 =	simm.s32 $0x9600;
	s12 =	smul.u32 $0x1880, s9  }
0x5: {  	s31 =	simm.s32 $0x10E00;
	s6 =	sand.u32 $0x1, s0;
	s13 =	smul.u32 $0x310, s9  }
0x6: {  	s0 =	sshll.u32 s6, $0x4;
	p1 =	sne.s32 s9, $0x0;
	s8 =	smul.u32 $0xC000, s9  }
0x7: {  	s6 =	ssub.s32 $0x2, s6;
	s7 =	sor.u32 s18, s0;
	s0 =	rddreg [dreg:$0x0]  }
0x8: {  	s16 =	sshrl.u32 s6, $0x1;
	p0 =	seq.s32 s7, $0x0;
	s2 =	sshrl.u32 s7, $0x3  }
0x9: {  	s4 =	sadd.s32 s13, s0;
	s14 =	sadd.s32 $0x1E00, s0;
	s19 =	sadd.s32 $0x1A600, s0  }
0xa: {  	s20 =	sadd.s32 $0x1DA00, s0;
	s6 =	ssub.s32 s6, s16;
	p0 =	por !p1, !p0  }
0xb: {  	s10 =	sadd.s32 s10, s13;
	s13 =	simm.s32 $0x1;
	p0 =	por !p0, !p0  }
0xc: {  	s16 =	simm.s32 $0x5;
	s26 =	sadd.s32 $0x1E200, s0;
	s1 =	simm.s32 @!p0 $0x0  }
0xd: {  	p1 =	slt.u32 s9, $0x3;
	p0 =	seq.s32 s9, $0x0;
	s11 =	ssub.s32 s2, s1  }
0xe: {  	s1 =	rddreg [dreg:$0x2];
	s2 =	simm.s32 $0x0;
	s13 =	simm.s32 @!p0 $0x0  }
0xf: {  	p0 =	slt.u32 s9, $0x2;
	s3 =	smul.u32 $0xC400, s11;
	[smem:$0x7FF] =	sst s2  }
0x10: {  	s5 =	smul.u32 $0x60000, s11;
	_ =	strace $0x80000047;
	[dreg:$0x4] =	wrdreg s19  }
0x11: {  	s15 =	smul.u32 $0x24C00, s11;
	s11 =	sshll.u32 s11, $0x3;
	[dreg:$0x5] =	wrdreg s20  }
0x12: {  	[dreg:$0x6] =	wrdreg s10;
	s25 =	sor.u32 s13, s11;
	s13 =	simm.s32 $0x2  }
0x13: {  	s3 =	sadd.s32 s12, s3;
	s5 =	sadd.s32 s8, s5;
	s8 =	sshll.u32 s7, $0x3  }
0x14: {  	s12 =	sadd.s32 s12, s15;
	s13 =	simm.s32 @!p0 $0x1;
	p0 =	slt.u32 s9, $0x4  }
0x15: {  	s7 =	sshll.u32 s7, $0xB;
	s3 =	sshrl.u32 s3, $0x3;
	s5 =	sshrl.u32 s5, $0x3  }
0x16: {  	s15 =	sshrl.u32 s12, $0x3;
	s21 =	sadd.s32 $0xC400, s12;
	s12 =	sadd.s32 $0x18800, s12  }
0x17: {  	s13 =	sor.u32 s13, s11;
	s7 =	sadd.s32 s26, s7;
	s8 =	sadd.s32 s8, s0  }
0x18: {  	s3 =	sadd.s32 s3, s0;
	s5 =	sadd.s32 s5, s0;
	s22 =	sadd.s32 s14, s15  }
0x19: {  	s23 =	sshrl.u32 s21, $0x3;
	s12 =	sshrl.u32 s12, $0x3;
	[dreg:$0xa] =	wrdreg s7  }
0x1a: {  	s15 =	simm.s32 $0x4;
	s13 =	sshll.u32 s13, $0xE;
	[dreg:$0x7] =	wrdreg s22  }
0x1b: {  	s10 =	sadd.s32 s14, s23;
	s24 =	sadd.s32 s14, s12;
	s12 =	sshll.u32 s25, $0xE  }
0x1c: {  	s14 =	simm.s32 $0x3;
	s15 =	simm.s32 @!p0 $0x3;
	p0 =	slt.u32 s9, $0x6  }
0x1d: {  	s25 =	sshll.u32 s18, $0xB;
	s18 =	sadd.s32 $0x14400, s3;
	[dreg:$0x8] =	wrdreg s10  }
0x1e: {  	[dreg:$0x9] =	wrdreg s24;
	s10 =	sshll.u32 s9, $0xB;
	s14 =	simm.s32 @!p1 $0x2  }
0x1f: {  	p1 =	slt.u32 s9, $0x5;
	s15 =	sor.u32 s15, s11;
	s12 =	sor.u32 s10, s12  }
0x20: {  	s14 =	sor.u32 s14, s11;
	s16 =	simm.s32 @!p1 $0x4;
	p1 =	seq.s32 s9, $0x7  }
0x21: {  	s9 =	simm.s32 $0x6;
	s7 =	sor.u32 s10, s13;
	s20 =	sshll.u32 s15, $0xE  }
0x22: {  	s9 =	simm.s32 @!p0 $0x5;
	s17 =	simm.s32 @!p1 $0x7;
	s16 =	sor.u32 s16, s11  }
0x23: {  	s12 =	sshrl.u32 s12, $0x3;
	s19 =	sshll.u32 s14, $0xE;
	s7 =	sshrl.u32 s7, $0x3  }
0x24: {  	s13 =	sor.u32 s10, s20;
	s9 =	sor.u32 s9, s11;
	s11 =	sor.u32 s17, s11  }
0x25: {  	s12 =	sadd.s32 s26, s12;
	s7 =	sadd.s32 s26, s7;
	s13 =	sshrl.u32 s13, $0x3  }
0x26: {  	s22 =	sshll.u32 s16, $0xE;
	s17 =	sadd.s32 $0x1C200, s0;
	[dreg:$0xb] =	wrdreg s12  }
0x27: {  	s0 =	simm.s32 $0x0;
	s12 =	sor.u32 s10, s19;
	[dreg:$0xc] =	wrdreg s7  }
0x28: {  	s13 =	sadd.s32 s26, s13;
	s7 =	sor.u32 s10, s22;
	s9 =	sshll.u32 s9, $0xE  }
0x29: {  	s11 =	sshll.u32 s11, $0xE;
	s19 =	sadd.s32 $0x1A800, s4;
	s21 =	sshrl.u32 s12, $0x3  }
0x2a: {  	s7 =	sshrl.u32 s7, $0x3;
	s9 =	sor.u32 s10, s9;
	s11 =	sor.u32 s10, s11  }
0x2b: {  	s12 =	sadd.s32 s26, s21;
	s14 =	sadd.s32 s26, s7;
	s23 =	sshrl.u32 s9, $0x3  }
0x2c: {  	s24 =	sshrl.u32 s11, $0x3;
	s21 =	sadd.s32 $0x9600, s10;
	s15 =	sadd.s32 s26, s23  }
0x2d: {  	s16 =	sadd.s32 s26, s24;
	s26 =	sand.u32 $0x4000, s25;
	s23 =	sadd.s32 $0x2E400, s5  }
0x2e: {  	s24 =	sadd.s32 $0x2E200, s8;
	s25 =	smax.u32 s6, $0x1;
	s20 =	sadd.s32 s26, s1  }
0x2f: {  	v0 =	vimm.f32 $0.0e+00;
	v1 =	vimm.f32 $1.000000000e+00;
	vm0 =	vmmov $0xf;
	s26 =	simm.s32 $0x1;
	s1 =	simm.s32 $0x1CE00;
	s22 =	sadd.s32 s10, s20  }
.LBB2_1:
0x30: {  	[tilespmem:s2], [sflag:$0x1] =	stream.linear.gather [hbm4b:s18+s2], $0x1880, $0x38;
	[tilespmem:$0x1D680] =	vst v63  }
0x31: {  	s3 =	rddreg [dreg:$0x6];
	s4 =	simm.s32 $0x1880  }
0x32: {  	[tilespmem:s4], [sflag:$0x1] =	stream.linear.gather [hbm4b:s3+s2], $0x1880, $0x38;
	[tilespmem:$0x1D680] =	vst v63  }
0x33: {  	s11 =	simm.s32 $0x3100  }
0x34: {  	[tilespmem:s11], [sflag:$0x1] =	stream.linear.gather [hbm4b:s19+s2], $0x1880, $0x38;
	[tilespmem:$0x1D680] =	vst v63  }
0x35: {  	s5 =	simm.s32 $0x4980;
	s4 =	rddreg [dreg:$0x7]  }
0x36: {  	[tilespmem:s5], [sflag:$0x1] =	stream.linear.gather [hbm4b:s4+s2], $0x1880, $0x38;
	[tilespmem:$0x1D680] =	vst v63  }
0x37: {  	s6 =	rddreg [dreg:$0x8];
	s7 =	simm.s32 $0x6200  }
0x38: {  	[tilespmem:s7], [sflag:$0x1] =	stream.linear.gather [hbm4b:s6+s2], $0x1880, $0x38;
	[tilespmem:$0x1D680] =	vst v63  }
0x39: {  	s8 =	rddreg [dreg:$0x9];
	s9 =	simm.s32 $0x7A80  }
0x3a: {  	[tilespmem:s9], [sflag:$0x1] =	stream.linear.gather [hbm4b:s8+s2], $0x1880, $0x38;
	[tilespmem:$0x1D680] =	vst v63  }
0x3b: {  	s10 =	rddreg [dreg:$0x4]  }
0x3c: {  	[tilespmem:s29], [sflag:$0x1] =	stream.linear.gather [hbm4b:s10+s2], $0x300, $0x38;
	[tilespmem:$0x1D680] =	vst v63  }
0x3d: {  	s11 =	rddreg [dreg:$0x5]  }
0x3e: {  	[tilespmem:s30], [sflag:$0x1] =	stream.linear.gather [hbm4b:s11+s2], $0x4000, $0x38;
	[tilespmem:$0x1D680] =	vst v63  }
0x3f: {  	_ = 	snop  }
0x40: {  	[tilespmem:s31], [sflag:$0x1] =	stream.linear.gather [hbm4b:s17+s2], $0xC000, $0x38;
	[tilespmem:$0x1D680] =	vst v63  }
0x41: {  	_ =	swait.ge [sflag:s26], $0x1880  }
0x42: {  	[sflag:s26] =	ssyncset.done $0x0  }
0x43: {  	[sflag:s26] =	ssyncadd.s32 $0xFFFFE780  }
0x44: {  	_ =	swait.ge [sflag:s26], $0x1880  }
0x45: {  	[sflag:s26] =	ssyncset.done $0x0  }
0x46: {  	[sflag:s26] =	ssyncadd.s32 $0xFFFFE780  }
0x47: {  	_ =	swait.ge [sflag:s26], $0x1880  }
0x48: {  	[sflag:s26] =	ssyncset.done $0x0  }
0x49: {  	[sflag:s26] =	ssyncadd.s32 $0xFFFFE780  }
0x4a: {  	_ =	swait.ge [sflag:s26], $0x1880  }
0x4b: {  	[sflag:s26] =	ssyncset.done $0x0  }
0x4c: {  	[sflag:s26] =	ssyncadd.s32 $0xFFFFE780  }
0x4d: {  	_ =	swait.ge [sflag:s26], $0x1880  }
0x4e: {  	[sflag:s26] =	ssyncset.done $0x0  }
0x4f: {  	[sflag:s26] =	ssyncadd.s32 $0xFFFFE780  }
0x50: {  	_ =	swait.ge [sflag:s26], $0x1880  }
0x51: {  	[sflag:s26] =	ssyncset.done $0x0  }
0x52: {  	[sflag:s26] =	ssyncadd.s32 $0xFFFFE780  }
0x53: {  	_ =	swait.ge [sflag:s26], $0x300  }
0x54: {  	[sflag:s26] =	ssyncset.done $0x0  }
0x55: {  	[sflag:s26] =	ssyncadd.s32 $0xFFFFFD00  }
0x56: {  	_ =	swait.ge [sflag:s26], $0x4000  }
0x57: {  	[sflag:s26] =	ssyncset.done $0x0  }
0x58: {  	[sflag:s26] =	ssyncadd.s32 $0xFFFFC000  }
0x59: {  	_ =	swait.ge [sflag:s26], $0xC000  }
0x5a: {  	[sflag:s26] =	ssyncset.done $0x0  }
0x5b: {  	[sflag:s26] =	ssyncadd.s32 $0xFFFF4000  }
0x5c: {  	[tilespmem:$0x1CE00] =	vst v0  }
0x5d: {  	[tilespmem:$0x1CE10] =	vst v0  }
0x5e: {  	[tilespmem:$0x1CE20] =	vst v0  }
0x5f: {  	s5 =	simm.s32 $0x20;
	[tilespmem:$0x1CE30] =	vst v0  }
0x60: {  	s6 =	simm.s32 $0x49A0;
	v2 =	vld [tilespmem:s5+$0x0]  }
0x61: {  	v6 =	vld [tilespmem:s6+$0x0]  }
0x62: {  	s3 =	simm.s32 $0x6220;
	v9 =	vld [tilespmem:s6+$0xFFFFFFF0]  }
0x63: {  	v10 =	vld [tilespmem:s3+$0xFFFFFFF0]  }
0x64: {  	s4 =	simm.s32 $0x7AA0;
	v11 =	vld [tilespmem:s3+$0xFFFFFFE0]  }
0x65: {  	v7 =	vld [tilespmem:s4+$0x0]  }
0x66: {  	s7 =	simm.s32 $0x18A0;
	v12 =	vld [tilespmem:s4+$0xFFFFFFF0]  }
0x67: {  	v4 =	vld [tilespmem:s7+$0xFFFFFFE0]  }
0x68: {  	v3 =	vld [tilespmem:s5+$0xFFFFFFF0]  }
0x69: {  	v8 =	vld [tilespmem:s4+$0x10]  }
0x6a: {  	s8 =	simm.s32 $0x3120;
	v13 =	vld [tilespmem:s3+$0x0]  }
0x6b: {  	v14 =	vld [tilespmem:s8+$0x10]  }
0x6c: {  	v15 =	vld [tilespmem:s8+$0x0]  }
0x6d: {  	v16 =	vld [tilespmem:s8+$0xFFFFFFF0]  }
0x6e: {  	v17 =	vld [tilespmem:s8+$0xFFFFFFE0]  }
0x6f: {  	v18 =	vld [tilespmem:s7+$0x10]  }
0x70: {  	v20 =	vld [tilespmem:s3+$0x10]  }
0x71: {  	v21 =	vld [tilespmem:s6+$0x10]  }
0x72: {  	v5 =	vld [tilespmem:s5+$0x10]  }
0x73: {  	v62 =	vld [tilespmem:s6+$0xFFFFFFE0];
	v19 =	vadd.s32 $0x200, v14  }
0x74: {  	v63 =	vld [tilespmem:s7+$0x0];
	v23 =	vadd.s32 $0x100, v14  }
0x75: {  	v26 =	vadd.s32 $0x100, v16;
	v14 =	vld.idx.msk [tilespmem:v14+s29+$0x0], $0xffff  }
0x76: {  	v22 =	vadd.s32 $0x200, v15;
	v25 =	vld.idx.msk [tilespmem:v15+s29+$0x0], $0xffff;
	v15 =	vadd.s32 $0x100, v15  }
0x77: {  	v24 =	vadd.s32 $0x200, v16;
	v27 =	vadd.s32 $0x100, v17;
	v16 =	vld.idx.msk [tilespmem:v16+s29+$0x0], $0xffff  }
0x78: {  	v19 =	vld.idx.msk [tilespmem:v19+s29+$0x0], $0xffff  }
0x79: {  	v23 =	vld.idx.msk [tilespmem:v23+s29+$0x0], $0xffff  }
0x7a: {  	v26 =	vld.idx.msk [tilespmem:v26+s29+$0x0], $0xffff  }
0x7b: {  	v15 =	vld.idx.msk [tilespmem:v15+s29+$0x0], $0xffff  }
0x7c: {  	v27 =	vld.idx.msk [tilespmem:v27+s29+$0x0], $0xffff  }
0x7d: {  	v28 =	vadd.s32 $0x200, v17;
	v22 =	vld.idx.msk [tilespmem:v22+s29+$0x0], $0xffff;
	v14 =	vmul.f32 v21, v14  }
0x7e: {  	v29 =	vshll.u32 v5, $0x8;
	v24 =	vld.idx.msk [tilespmem:v24+s29+$0x0], $0xffff;
	v25 =	vmul.f32 v6, v25;
	v20 =	vmul.f32 v20, v23  }
0x7f: {  	v18 =	vadd.s32 v18, v29;
	v17 =	vld.idx.msk [tilespmem:v17+s29+$0x0], $0xffff;
	v9 =	vmul.f32 v9, v16;
	v16 =	vmul.f32 v10, v26  }
0x80: {  	v6 =	vld [tilespmem:s5+$0xFFFFFFE0];
	v15 =	vmul.f32 v13, v15;
	v13 =	vadd.f32 v20, v14;
	v14 =	vmul.f32 v8, v19  }
0x81: {  	v10 =	vmul.f32 v11, v27;
	v11 =	vld [tilespmem:s4+$0xFFFFFFE0]  }
0x82: {  	v7 =	vmul.f32 v7, v22;
	v16 =	vadd.f32 v16, v9;
	v8 =	vld.idx.msk [tilespmem:v28+s29+$0x0], $0xffff;
	v20 =	vadd.f32 v14, v13  }
0x83: {  	s9 =	simm.s32 $0x60;
	s6 =	simm.s32 $0x18E0;
	v19 =	vshll.u32 v2, $0x8;
	v14 =	vmul.f32 v12, v24;
	v13 =	vld [tilespmem:s7+$0xFFFFFFF0];
	v15 =	vadd.f32 v15, v25  }
0x84: {  	s8 =	simm.s32 $0x3160;
	s5 =	simm.s32 $0x0;
	v9 =	vadd.s32 v63, v19;
	v12 =	vmul.f32 v62, v17;
	s7 =	simm.s32 $0x49E0;
	[tilespmem:v18+s30+$0x0] =	vst.idx.add.f32.msk $0xffff, v20  }
.LBB2_2:
0x85: {  	v17 =	vld [tilespmem:s9+$0x0];
	s5 =	sadd.s32 $0x40, s5;
	v18 =	vshll.u32 v6, $0x8;
	v14 =	vadd.f32 v14, v16;
	v7 =	vadd.f32 v7, v15;
	s4 =	sadd.s32 $0x40, s4;
	s3 =	sadd.s32 $0x40, s3  }
0x86: {  	v15 =	vld [tilespmem:s7+$0x0];
	p0 =	slt.u32 s5, $0x1840;
	v16 =	vadd.s32 v4, v18;
	[tilespmem:v5+s1+$0x0] =	vst.idx.msk $0xffff, v1  }
0x87: {  	v4 =	vadd.f32 v10, v12;
	v18 =	vld [tilespmem:s7+$0xFFFFFFF0];
	v5 =	vmul.f32 v11, v8;
	v8 =	vshll.u32 v3, $0x8  }
0x88: {  	v10 =	vld [tilespmem:s3+$0xFFFFFFF0];
	v8 =	vadd.s32 v13, v8  }
0x89: {  	v11 =	vld [tilespmem:s3+$0xFFFFFFE0];
	v5 =	vadd.f32 v5, v4  }
0x8a: {  	v12 =	vld [tilespmem:s4+$0x0]  }
0x8b: {  	v13 =	vld [tilespmem:s4+$0xFFFFFFF0]  }
0x8c: {  	v4 =	vld [tilespmem:s6+$0xFFFFFFE0]  }
0x8d: {  	[tilespmem:v8+s30+$0x0] =	vst.idx.add.f32.msk $0xffff, v14  }
0x8e: {  	[tilespmem:v9+s30+$0x0] =	vst.idx.add.f32.msk $0xffff, v7  }
0x8f: {  	[tilespmem:v16+s30+$0x0] =	vst.idx.add.f32.msk $0xffff, v5  }
0x90: {  	[tilespmem:v3+s1+$0x0] =	vst.idx.msk $0xffff, v1;
	v3 =	vld [tilespmem:s9+$0xFFFFFFF0]  }
0x91: {  	v8 =	vld [tilespmem:s4+$0x10];
	[tilespmem:v6+s1+$0x0] =	vst.idx.msk $0xffff, v1  }
0x92: {  	v9 =	vld [tilespmem:s3+$0x0];
	[tilespmem:v2+s1+$0x0] =	vst.idx.msk $0xffff, v1;
	v2 =	vmov v17  }
0x93: {  	v6 =	vld [tilespmem:s8+$0x10]  }
0x94: {  	v7 =	vld [tilespmem:s8+$0x0]  }
0x95: {  	v14 =	vld [tilespmem:s8+$0xFFFFFFF0]  }
0x96: {  	v16 =	vld [tilespmem:s8+$0xFFFFFFE0]  }
0x97: {  	v17 =	vld [tilespmem:s6+$0x10]  }
0x98: {  	v19 =	vadd.s32 $0x100, v6;
	v20 =	vadd.s32 $0x200, v6;
	v21 =	vld [tilespmem:s3+$0x10]  }
0x99: {  	v22 =	vadd.s32 $0x100, v7;
	v23 =	vadd.s32 $0x200, v7;
	v24 =	vld [tilespmem:s7+$0x10]  }
0x9a: {  	v25 =	vadd.s32 $0x100, v14;
	v26 =	vadd.s32 $0x200, v14;
	v5 =	vld [tilespmem:s9+$0x10]  }
0x9b: {  	v27 =	vadd.s32 $0x100, v16;
	v6 =	vld.idx.msk [tilespmem:v6+s29+$0x0], $0xffff  }
0x9c: {  	v7 =	vld.idx.msk [tilespmem:v7+s29+$0x0], $0xffff  }
0x9d: {  	v20 =	vld.idx.msk [tilespmem:v20+s29+$0x0], $0xffff  }
0x9e: {  	v14 =	vld.idx.msk [tilespmem:v14+s29+$0x0], $0xffff  }
0x9f: {  	v23 =	vld.idx.msk [tilespmem:v23+s29+$0x0], $0xffff;
	v28 =	vshll.u32 v5, $0x8  }
0xa0: {  	v19 =	vld.idx.msk [tilespmem:v19+s29+$0x0], $0xffff;
	v17 =	vadd.s32 v17, v28  }
0xa1: {  	v26 =	vld.idx.msk [tilespmem:v26+s29+$0x0], $0xffff  }
0xa2: {  	v22 =	vld.idx.msk [tilespmem:v22+s29+$0x0], $0xffff  }
0xa3: {  	v25 =	vld.idx.msk [tilespmem:v25+s29+$0x0], $0xffff  }
0xa4: {  	v28 =	vadd.s32 $0x200, v16;
	v27 =	vld.idx.msk [tilespmem:v27+s29+$0x0], $0xffff  }
0xa5: {  	v16 =	vld.idx.msk [tilespmem:v16+s29+$0x0], $0xffff  }
0xa6: {  	v24 =	vmul.f32 v24, v6;
	v19 =	vmul.f32 v21, v19;
	v29 =	vld [tilespmem:s7+$0xFFFFFFE0]  }
0xa7: {  	v15 =	vmul.f32 v15, v7;
	v7 =	vmul.f32 v12, v23;
	v21 =	vld [tilespmem:s6+$0x0]  }
.Ltmp0:
0xa8: {  	v9 =	vmul.f32 v9, v22;
	v12 =	vadd.f32 v19, v24;
	v19 =	vmul.f32 v8, v20;
	v6 =	vld [tilespmem:s9+$0xFFFFFFE0];
	(pc) =	sbr.rel @p0 .LBB2_2-.Ltmp0, $4  }
0xa9: {  	v18 =	vmul.f32 v18, v14;
	v22 =	vshll.u32 v2, $0x8;
	v20 =	vmul.f32 v10, v25;
	v8 =	vld.idx.msk [tilespmem:v28+s29+$0x0], $0xffff  }
0xaa: {  	v14 =	vmul.f32 v13, v26;
	v10 =	vmul.f32 v11, v27;
	v19 =	vadd.f32 v19, v12;
	v11 =	vld [tilespmem:s4+$0xFFFFFFE0]  }
0xab: {  	v15 =	vadd.f32 v9, v15;
	v12 =	vmul.f32 v29, v16;
	v13 =	vld [tilespmem:s6+$0xFFFFFFF0];
	v16 =	vadd.f32 v20, v18;
	s6 =	sadd.s32 $0x40, s6  }
0xac: {  	s8 =	sadd.s32 $0x40, s8;
	s7 =	sadd.s32 $0x40, s7;
	s9 =	sadd.s32 $0x40, s9;
	v9 =	vadd.s32 v21, v22;
	[tilespmem:v17+s30+$0x0] =	vst.idx.add.f32.msk $0xffff, v19  }
0xad: {  	_ = 	snop  }
0xae: {  	v46 =	vshll.u32 v6, $0x8  }
0xaf: {  	v17 =	vshll.u32 v3, $0x8;
	v4 =	vadd.s32 v4, v46  }
0xb0: {  	v10 =	vadd.f32 v10, v12;
	v7 =	vadd.f32 v7, v15;
	v8 =	vmul.f32 v11, v8  }
0xb1: {  	[tilespmem:v5+s1+$0x0] =	vst.idx.msk $0xffff, v1;
	v13 =	vadd.s32 v13, v17  }
0xb2: {  	[tilespmem:v9+s30+$0x0] =	vst.idx.add.f32.msk $0xffff, v7;
	v47 =	vadd.f32 v8, v10  }
0xb3: {  	[tilespmem:v2+s1+$0x0] =	vst.idx.msk $0xffff, v1  }
0xb4: {  	v14 =	vadd.f32 v14, v16;
	[tilespmem:v4+s30+$0x0] =	vst.idx.add.f32.msk $0xffff, v47  }
0xb5: {  	[tilespmem:v6+s1+$0x0] =	vst.idx.msk $0xffff, v1  }
0xb6: {  	[tilespmem:v13+s30+$0x0] =	vst.idx.add.f32.msk $0xffff, v14  }
0xb7: {  	[tilespmem:v3+s1+$0x0] =	vst.idx.msk $0xffff, v1  }
0xb8: {  	s3 =	simm.s32 $0x0;
	s4 =	rddreg [dreg:$0xa]  }
0xb9: {  	[hbm4b:s4+s3] =	stream.linear.scatter [tilespmem:s30], [sflag:$0x2], $0x4000, $0x38;
	[tilespmem:$0x1D680] =	vst v63  }
0xba: {  	_ =	swait.ge [sflag:s28], $0x4000  }
0xbb: {  	[sflag:s28] =	ssyncset.done $0x0  }
0xbc: {  	[sflag:s28] =	ssyncadd.s32 $0xFFFFC000  }
0xbd: {  	[bflag:$0x0] =	sbarrier.arrive $0xFFFF  }
0xbe: {  	s5 =	simm.s32 $0xD600;
	s8 =	rddreg [dreg:$0xb]  }
0xbf: {  	[tilespmem:s5], [sflag:$0x1] =	stream.linear.gather [hbm4b:s8+s3], $0x800, $0x38;
	[tilespmem:$0x1D680] =	vst v63  }
0xc0: {  	s10 =	simm.s32 $0xDE00;
	s9 =	rddreg [dreg:$0xc]  }
0xc1: {  	[tilespmem:s10], [sflag:$0x1] =	stream.linear.gather [hbm4b:s9+s3], $0x800, $0x38;
	[tilespmem:$0x1D680] =	vst v63  }
0xc2: {  	s11 =	simm.s32 $0xE600  }
0xc3: {  	[tilespmem:s11], [sflag:$0x1] =	stream.linear.gather [hbm4b:s12+s3], $0x800, $0x38;
	[tilespmem:$0x1D680] =	vst v63  }
0xc4: {  	s5 =	simm.s32 $0xEE00  }
0xc5: {  	[tilespmem:s5], [sflag:$0x1] =	stream.linear.gather [hbm4b:s13+s3], $0x800, $0x38;
	[tilespmem:$0x1D680] =	vst v63  }
0xc6: {  	s6 =	simm.s32 $0xF600  }
0xc7: {  	[tilespmem:s6], [sflag:$0x1] =	stream.linear.gather [hbm4b:s14+s3], $0x800, $0x38;
	[tilespmem:$0x1D680] =	vst v63  }
0xc8: {  	s7 =	simm.s32 $0xFE00  }
0xc9: {  	[tilespmem:s7], [sflag:$0x1] =	stream.linear.gather [hbm4b:s15+s3], $0x800, $0x38;
	[tilespmem:$0x1D680] =	vst v63  }
0xca: {  	s8 =	simm.s32 $0x10600  }
0xcb: {  	[tilespmem:s8], [sflag:$0x1] =	stream.linear.gather [hbm4b:s16+s3], $0x800, $0x38;
	[tilespmem:$0x1D680] =	vst v63  }
0xcc: {  	_ =	swait.ge [sflag:s26], $0x800  }
0xcd: {  	[sflag:s26] =	ssyncset.done $0x0  }
0xce: {  	[sflag:s26] =	ssyncadd.s32 $0xFFFFF800  }
0xcf: {  	_ =	swait.ge [sflag:s26], $0x800  }
0xd0: {  	[sflag:s26] =	ssyncset.done $0x0  }
0xd1: {  	[sflag:s26] =	ssyncadd.s32 $0xFFFFF800  }
0xd2: {  	_ =	swait.ge [sflag:s26], $0x800  }
0xd3: {  	[sflag:s26] =	ssyncset.done $0x0  }
0xd4: {  	[sflag:s26] =	ssyncadd.s32 $0xFFFFF800  }
0xd5: {  	_ =	swait.ge [sflag:s26], $0x800  }
0xd6: {  	[sflag:s26] =	ssyncset.done $0x0  }
0xd7: {  	[sflag:s26] =	ssyncadd.s32 $0xFFFFF800  }
0xd8: {  	_ =	swait.ge [sflag:s26], $0x800  }
0xd9: {  	[sflag:s26] =	ssyncset.done $0x0  }
0xda: {  	[sflag:s26] =	ssyncadd.s32 $0xFFFFF800  }
0xdb: {  	_ =	swait.ge [sflag:s26], $0x800  }
0xdc: {  	[sflag:s26] =	ssyncset.done $0x0  }
0xdd: {  	[sflag:s26] =	ssyncadd.s32 $0xFFFFF800  }
0xde: {  	s9 =	sand.u32 $0x780, s3;
	_ =	swait.ge [sflag:s26], $0x800  }
0xdf: {  	s10 =	sadd.s32 s9, s21;
	s6 =	sand.u32 $0x40, s3;
	[sflag:s26] =	ssyncset.done $0x0  }
0xe0: {  	s4 =	sadd.s32 s6, s10;
	[sflag:s26] =	ssyncadd.s32 $0xFFFFF800  }
0xe1: {  	s3 =	simm.s32 $0xEE20;
	v2 =	vld [tilespmem:s4+$0x0]  }
0xe2: {  	v3 =	vld [tilespmem:s3+$0xFFFFE7E0]  }
0xe3: {  	s5 =	sor.u32 s6, s9  }
0xe4: {  	v48 =	vld [tilespmem:s5+$0xDE00];
	_ =	sdelay $0x1  }
0xe5: {  	v49 =	vld [tilespmem:s5+$0xE600]  }
0xe6: {  	v2 =	vadd.f32 v3, v2  }
0xe7: {  	v3 =	vld [tilespmem:s5+$0xEE00]  }
0xe8: {  	v2 =	vadd.f32 v48, v2  }
0xe9: {  	v50 =	vld [tilespmem:s5+$0xF600]  }
0xea: {  	v2 =	vadd.f32 v49, v2  }
0xeb: {  	v51 =	vld [tilespmem:s5+$0xFE00]  }
0xec: {  	v2 =	vadd.f32 v3, v2  }
0xed: {  	v3 =	vld [tilespmem:s5+$0x10600]  }
0xee: {  	v2 =	vadd.f32 v50, v2;
	_ =	sdelay $0x1  }
0xef: {  	v2 =	vadd.f32 v51, v2;
	_ =	sdelay $0x1  }
0xf0: {  	v2 =	vadd.f32 v3, v2;
	_ =	sdelay $0x1  }
0xf1: {  	[tilespmem:s4+$0x0] =	vst v2;
	v2 =	vld [tilespmem:s4+$0x10]  }
0xf2: {  	v3 =	vld [tilespmem:s3+$0xFFFFE7F0];
	_ =	sdelay $0x1  }
0xf3: {  	v52 =	vld [tilespmem:s3+$0xFFFFEFF0];
	_ =	sdelay $0x1  }
0xf4: {  	v53 =	vld [tilespmem:s3+$0xFFFFF7F0]  }
0xf5: {  	v2 =	vadd.f32 v3, v2  }
0xf6: {  	v3 =	vld [tilespmem:s3+$0xFFFFFFF0]  }
0xf7: {  	v2 =	vadd.f32 v52, v2  }
0xf8: {  	v54 =	vld [tilespmem:s3+$0x7F0]  }
0xf9: {  	v2 =	vadd.f32 v53, v2  }
0xfa: {  	v55 =	vld [tilespmem:s3+$0xFF0]  }
0xfb: {  	v2 =	vadd.f32 v3, v2  }
0xfc: {  	v3 =	vld [tilespmem:s3+$0x17F0]  }
0xfd: {  	v2 =	vadd.f32 v54, v2;
	_ =	sdelay $0x1  }
0xfe: {  	v2 =	vadd.f32 v55, v2;
	_ =	sdelay $0x1  }
0xff: {  	v2 =	vadd.f32 v3, v2;
	_ =	sdelay $0x1  }
0x100: {  	[tilespmem:s4+$0x10] =	vst v2;
	v2 =	vld [tilespmem:s4+$0x20]  }
0x101: {  	v3 =	vld [tilespmem:s3+$0xFFFFE800];
	_ =	sdelay $0x1  }
0x102: {  	v56 =	vld [tilespmem:s3+$0xFFFFF000];
	_ =	sdelay $0x1  }
0x103: {  	v57 =	vld [tilespmem:s3+$0xFFFFF800]  }
0x104: {  	v2 =	vadd.f32 v3, v2  }
0x105: {  	v3 =	vld [tilespmem:s3+$0x0]  }
0x106: {  	v2 =	vadd.f32 v56, v2  }
0x107: {  	v58 =	vld [tilespmem:s3+$0x800]  }
0x108: {  	v2 =	vadd.f32 v57, v2  }
0x109: {  	v59 =	vld [tilespmem:s3+$0x1000]  }
0x10a: {  	v2 =	vadd.f32 v3, v2  }
0x10b: {  	v3 =	vld [tilespmem:s3+$0x1800]  }
0x10c: {  	v2 =	vadd.f32 v58, v2;
	_ =	sdelay $0x1  }
0x10d: {  	v2 =	vadd.f32 v59, v2;
	_ =	sdelay $0x1  }
0x10e: {  	v2 =	vadd.f32 v3, v2;
	_ =	sdelay $0x1  }
0x10f: {  	[tilespmem:s4+$0x20] =	vst v2;
	v2 =	vld [tilespmem:s4+$0x30]  }
0x110: {  	v3 =	vld [tilespmem:s3+$0xFFFFE810];
	_ =	sdelay $0x1  }
0x111: {  	v60 =	vld [tilespmem:s3+$0xFFFFF010];
	_ =	sdelay $0x1  }
0x112: {  	v61 =	vld [tilespmem:s3+$0xFFFFF810]  }
0x113: {  	v2 =	vadd.f32 v3, v2  }
0x114: {  	v3 =	vld [tilespmem:s3+$0x10]  }
0x115: {  	v2 =	vadd.f32 v60, v2  }
0x116: {  	v62 =	vld [tilespmem:s3+$0x810]  }
0x117: {  	v2 =	vadd.f32 v61, v2  }
0x118: {  	v63 =	vld [tilespmem:s3+$0x1010]  }
0x119: {  	v2 =	vadd.f32 v3, v2  }
0x11a: {  	v3 =	vld [tilespmem:s3+$0x1810]  }
0x11b: {  	v2 =	vadd.f32 v62, v2;
	_ =	sdelay $0x1  }
0x11c: {  	s11 =	simm.s32 $0x40;
	v2 =	vadd.f32 v63, v2  }
0x11d: {  	s6 =	sand.u32 $0x780, s11  }
0x11e: {  	s7 =	sand.u32 $0x40, s11;
	s8 =	sadd.s32 s6, s21;
	s5 =	simm.s32 $0x80;
	v2 =	vadd.f32 v3, v2  }
.LBB2_4:
0x11f: {  	p0 =	sne.s32 s5, $0x7C0;
	s8 =	sadd.s32 s7, s8  }
0x120: {  	s3 =	sadd.s32 $0x40, s3;
	v3 =	vld [tilespmem:s8+$0x0];
	[tilespmem:s4+$0x30] =	vst v2;
	s4 =	smov.u32 s8  }
0x121: {  	s6 =	sor.u32 s7, s6;
	v2 =	vld [tilespmem:s3+$0xFFFFE7E0]  }
0x122: {  	v4 =	vld [tilespmem:s6+$0xDE00]  }
0x123: {  	v5 =	vld [tilespmem:s6+$0xE600]  }
0x124: {  	v6 =	vld [tilespmem:s6+$0xEE00]  }
0x125: {  	v7 =	vld [tilespmem:s6+$0xF600]  }
0x126: {  	v2 =	vadd.f32 v2, v3;
	v3 =	vld [tilespmem:s6+$0xFE00]  }
0x127: {  	v8 =	vld [tilespmem:s6+$0x10600]  }
0x128: {  	v2 =	vadd.f32 v4, v2;
	_ =	sdelay $0x1  }
0x129: {  	v2 =	vadd.f32 v5, v2;
	_ =	sdelay $0x1  }
0x12a: {  	v2 =	vadd.f32 v6, v2;
	_ =	sdelay $0x1  }
0x12b: {  	v2 =	vadd.f32 v7, v2;
	_ =	sdelay $0x1  }
0x12c: {  	v2 =	vadd.f32 v3, v2;
	_ =	sdelay $0x1  }
0x12d: {  	v2 =	vadd.f32 v8, v2;
	_ =	sdelay $0x1  }
0x12e: {  	[tilespmem:s4+$0x0] =	vst v2;
	v2 =	vld [tilespmem:s4+$0x10]  }
0x12f: {  	v3 =	vld [tilespmem:s3+$0xFFFFE7F0];
	_ =	sdelay $0x1  }
0x130: {  	v4 =	vld [tilespmem:s3+$0xFFFFEFF0];
	_ =	sdelay $0x1  }
0x131: {  	v5 =	vld [tilespmem:s3+$0xFFFFF7F0]  }
0x132: {  	v2 =	vadd.f32 v3, v2  }
0x133: {  	v3 =	vld [tilespmem:s3+$0xFFFFFFF0]  }
0x134: {  	v2 =	vadd.f32 v4, v2  }
0x135: {  	v4 =	vld [tilespmem:s3+$0x7F0]  }
0x136: {  	v2 =	vadd.f32 v5, v2  }
0x137: {  	v5 =	vld [tilespmem:s3+$0xFF0]  }
0x138: {  	v2 =	vadd.f32 v3, v2  }
0x139: {  	v3 =	vld [tilespmem:s3+$0x17F0]  }
0x13a: {  	v2 =	vadd.f32 v4, v2;
	_ =	sdelay $0x1  }
0x13b: {  	v2 =	vadd.f32 v5, v2;
	_ =	sdelay $0x1  }
0x13c: {  	v2 =	vadd.f32 v3, v2;
	_ =	sdelay $0x1  }
0x13d: {  	[tilespmem:s4+$0x10] =	vst v2;
	v2 =	vld [tilespmem:s4+$0x20]  }
0x13e: {  	v3 =	vld [tilespmem:s3+$0xFFFFE800];
	_ =	sdelay $0x1  }
0x13f: {  	v4 =	vld [tilespmem:s3+$0xFFFFF000];
	_ =	sdelay $0x1  }
0x140: {  	v5 =	vld [tilespmem:s3+$0xFFFFF800]  }
0x141: {  	v2 =	vadd.f32 v3, v2  }
0x142: {  	v3 =	vld [tilespmem:s3+$0x0]  }
0x143: {  	v2 =	vadd.f32 v4, v2  }
0x144: {  	v4 =	vld [tilespmem:s3+$0x800]  }
0x145: {  	v2 =	vadd.f32 v5, v2  }
0x146: {  	v5 =	vld [tilespmem:s3+$0x1000]  }
0x147: {  	v2 =	vadd.f32 v3, v2  }
0x148: {  	v3 =	vld [tilespmem:s3+$0x1800]  }
0x149: {  	v2 =	vadd.f32 v4, v2;
	_ =	sdelay $0x1  }
0x14a: {  	v2 =	vadd.f32 v5, v2;
	_ =	sdelay $0x1  }
0x14b: {  	v2 =	vadd.f32 v3, v2;
	_ =	sdelay $0x1  }
0x14c: {  	[tilespmem:s4+$0x20] =	vst v2;
	v2 =	vld [tilespmem:s4+$0x30]  }
0x14d: {  	v3 =	vld [tilespmem:s3+$0xFFFFE810]  }
0x14e: {  	v4 =	vld [tilespmem:s3+$0xFFFFF010]  }
0x14f: {  	v5 =	vld [tilespmem:s3+$0xFFFFF810]  }
0x150: {  	v6 =	vld [tilespmem:s3+$0x10]  }
0x151: {  	v7 =	vld [tilespmem:s3+$0x810]  }
0x152: {  	v2 =	vadd.f32 v3, v2;
	v3 =	vld [tilespmem:s3+$0x1010]  }
0x153: {  	v8 =	vld [tilespmem:s3+$0x1810]  }
0x154: {  	v2 =	vadd.f32 v4, v2;
	_ =	sdelay $0x1  }
0x155: {  	v2 =	vadd.f32 v5, v2;
	_ =	sdelay $0x1  }
0x156: {  	v2 =	vadd.f32 v6, v2;
	_ =	sdelay $0x1  }
.Ltmp1:
0x157: {  	v2 =	vadd.f32 v7, v2;
	(pc) =	sbr.rel @p0 .LBB2_4-.Ltmp1, $4  }
0x158: {  	_ = 	snop  }
0x159: {  	v2 =	vadd.f32 v3, v2  }
0x15a: {  	s6 =	sand.u32 $0x780, s5  }
0x15b: {  	s7 =	sand.u32 $0x40, s5;
	s5 =	sadd.s32 $0x40, s5;
	s8 =	sadd.s32 s6, s21;
	v2 =	vadd.f32 v8, v2  }
0x15c: {  	s5 =	sadd.s32 s7, s8  }
0x15d: {  	s3 =	sadd.s32 $0x40, s3;
	v3 =	vld [tilespmem:s5+$0x0];
	[tilespmem:s4+$0x30] =	vst v2  }
0x15e: {  	v2 =	vld [tilespmem:s3+$0xFFFFE7E0]  }
0x15f: {  	s11 =	sor.u32 s7, s6  }
0x160: {  	v4 =	vld [tilespmem:s11+$0xDE00];
	_ =	sdelay $0x1  }
0x161: {  	v5 =	vld [tilespmem:s11+$0xE600]  }
0x162: {  	v2 =	vadd.f32 v2, v3  }
0x163: {  	v3 =	vld [tilespmem:s11+$0xEE00]  }
0x164: {  	v2 =	vadd.f32 v4, v2  }
0x165: {  	v4 =	vld [tilespmem:s11+$0xF600]  }
0x166: {  	v2 =	vadd.f32 v5, v2  }
0x167: {  	v5 =	vld [tilespmem:s11+$0xFE00]  }
0x168: {  	v2 =	vadd.f32 v3, v2  }
0x169: {  	v3 =	vld [tilespmem:s11+$0x10600]  }
0x16a: {  	v2 =	vadd.f32 v4, v2;
	_ =	sdelay $0x1  }
0x16b: {  	v2 =	vadd.f32 v5, v2;
	_ =	sdelay $0x1  }
0x16c: {  	v2 =	vadd.f32 v3, v2;
	_ =	sdelay $0x1  }
0x16d: {  	[tilespmem:s5+$0x0] =	vst v2;
	v2 =	vld [tilespmem:s5+$0x10]  }
0x16e: {  	v3 =	vld [tilespmem:s3+$0xFFFFE7F0];
	_ =	sdelay $0x1  }
0x16f: {  	v4 =	vld [tilespmem:s3+$0xFFFFEFF0];
	_ =	sdelay $0x1  }
0x170: {  	v5 =	vld [tilespmem:s3+$0xFFFFF7F0]  }
0x171: {  	v2 =	vadd.f32 v3, v2  }
0x172: {  	v3 =	vld [tilespmem:s3+$0xFFFFFFF0]  }
0x173: {  	v2 =	vadd.f32 v4, v2  }
0x174: {  	v4 =	vld [tilespmem:s3+$0x7F0]  }
0x175: {  	v2 =	vadd.f32 v5, v2  }
0x176: {  	v5 =	vld [tilespmem:s3+$0xFF0]  }
0x177: {  	v2 =	vadd.f32 v3, v2  }
0x178: {  	v3 =	vld [tilespmem:s3+$0x17F0]  }
0x179: {  	v2 =	vadd.f32 v4, v2;
	_ =	sdelay $0x1  }
0x17a: {  	v2 =	vadd.f32 v5, v2;
	_ =	sdelay $0x1  }
0x17b: {  	v2 =	vadd.f32 v3, v2;
	_ =	sdelay $0x1  }
0x17c: {  	[tilespmem:s5+$0x10] =	vst v2;
	v2 =	vld [tilespmem:s5+$0x20]  }
0x17d: {  	v3 =	vld [tilespmem:s3+$0xFFFFE800];
	_ =	sdelay $0x1  }
0x17e: {  	v4 =	vld [tilespmem:s3+$0xFFFFF000];
	_ =	sdelay $0x1  }
0x17f: {  	v5 =	vld [tilespmem:s3+$0xFFFFF800]  }
0x180: {  	v2 =	vadd.f32 v3, v2  }
0x181: {  	v3 =	vld [tilespmem:s3+$0x0]  }
0x182: {  	v2 =	vadd.f32 v4, v2  }
0x183: {  	v4 =	vld [tilespmem:s3+$0x800]  }
0x184: {  	v2 =	vadd.f32 v5, v2  }
0x185: {  	v5 =	vld [tilespmem:s3+$0x1000]  }
0x186: {  	v2 =	vadd.f32 v3, v2  }
0x187: {  	v3 =	vld [tilespmem:s3+$0x1800]  }
0x188: {  	v2 =	vadd.f32 v4, v2;
	_ =	sdelay $0x1  }
0x189: {  	v2 =	vadd.f32 v5, v2;
	_ =	sdelay $0x1  }
0x18a: {  	v2 =	vadd.f32 v3, v2;
	_ =	sdelay $0x1  }
0x18b: {  	[tilespmem:s5+$0x20] =	vst v2;
	v2 =	vld [tilespmem:s5+$0x30]  }
0x18c: {  	v3 =	vld [tilespmem:s3+$0xFFFFE810];
	_ =	sdelay $0x1  }
0x18d: {  	v4 =	vld [tilespmem:s3+$0xFFFFF010];
	_ =	sdelay $0x1  }
0x18e: {  	v5 =	vld [tilespmem:s3+$0xFFFFF810]  }
0x18f: {  	v2 =	vadd.f32 v3, v2  }
0x190: {  	v3 =	vld [tilespmem:s3+$0x10]  }
0x191: {  	v2 =	vadd.f32 v4, v2  }
0x192: {  	v4 =	vld [tilespmem:s3+$0x810]  }
0x193: {  	v2 =	vadd.f32 v5, v2  }
0x194: {  	v5 =	vld [tilespmem:s3+$0x1010]  }
0x195: {  	v2 =	vadd.f32 v3, v2  }
0x196: {  	v3 =	vld [tilespmem:s3+$0x1810]  }
0x197: {  	v2 =	vadd.f32 v4, v2;
	_ =	sdelay $0x1  }
0x198: {  	v2 =	vadd.f32 v5, v2;
	_ =	sdelay $0x1  }
0x199: {  	v2 =	vadd.f32 v3, v2;
	_ =	sdelay $0x1  }
0x19a: {  	[tilespmem:s5+$0x30] =	vst v2  }
0x19b: {  	[spmem:s22] =	stream.linear.scatter [tilespmem:s21], [sflag:$0x2], $0x800, $0x38;
	[tilespmem:$0x1D680] =	vst v63  }
0x19c: {  	_ =	swait.ge [sflag:s28], $0x800  }
0x19d: {  	[sflag:s28] =	ssyncset.done $0x0  }
0x19e: {  	[sflag:s28] =	ssyncadd.s32 $0xFFFFF800  }
0x19f: {  	[bflag:$0x0] =	sbarrier.arrive $0xFFFF  }
0x1a0: {  	[tilespmem:s30], [sflag:$0x2] =	stream.linear.gather [spmem:s20], $0x4000, $0x38;
	[tilespmem:$0x1D680] =	vst v63  }
0x1a1: {  	_ =	swait.ge [sflag:s28], $0x4000  }
0x1a2: {  	[sflag:s28] =	ssyncset.done $0x0  }
0x1a3: {  	s3 =	simm.s32 $0x0;
	[sflag:s28] =	ssyncadd.s32 $0xFFFFC000  }
0x1a4: {  	v2 =	vld [tilespmem:s3+$0x9600]  }
0x1a5: {  	v3 =	vld [tilespmem:s3+$0x9610]  }
0x1a6: {  	v4 =	vld [tilespmem:s3+$0x9620]  }
0x1a7: {  	v5 =	vld [tilespmem:s3+$0x9630]  }
0x1a8: {  	v6 =	vld [tilespmem:s3+$0x9660]  }
0x1a9: {  	v7 =	vld [tilespmem:s3+$0x9640]  }
0x1aa: {  	v9 =	vld [tilespmem:s3+$0x9650];
	v8 =	vmax.f32 v2, $-1.000000020e+30  }
0x1ab: {  	v10 =	vld [tilespmem:s3+$0x9670];
	v8 =	vmax.f32 v8, v3  }
0x1ac: {  	v11 =	vld [tilespmem:s3+$0x96C0];
	v8 =	vmax.f32 v8, v4  }
0x1ad: {  	v12 =	vld [tilespmem:s3+$0x9680];
	v8 =	vmax.f32 v8, v5  }
0x1ae: {  	v13 =	vld [tilespmem:s3+$0x9690];
	v8 =	vmax.f32 v8, v7  }
0x1af: {  	v14 =	vld [tilespmem:s3+$0x96A0];
	v8 =	vmax.f32 v8, v9  }
0x1b0: {  	v15 =	vld [tilespmem:s3+$0x96B0];
	v8 =	vmax.f32 v8, v6  }
0x1b1: {  	v8 =	vmax.f32 v8, v10  }
0x1b2: {  	v8 =	vmax.f32 v8, v12  }
0x1b3: {  	v8 =	vmax.f32 v8, v13  }
0x1b4: {  	v8 =	vmax.f32 v8, v14  }
0x1b5: {  	v16 =	vnsel vm0, $0xF149F2CA, v11;
	v8 =	vmax.f32 v8, v15  }
0x1b6: {  	v8 =	vmax.f32 v8, v16  }
0x1b7: {  	(xrf0) =	vmax.scan.msk.f32 $0xffff, v8;
	_ =	sdelay $0x5  }
0x1b8: {  	v8, _, _ =	vpop (xrf0)  }
0x1b9: {  	v8 =	vbroadcast v8, $0xF;
	_ =	sdelay $0x1  }
0x1ba: {  	v2 =	vsub.f32 v2, v8;
	_ =	sdelay $0x1  }
0x1bb: {  	v2 =	vmul.f32 $1.442695020e+00, v2  }
0x1bc: {  	v3 =	vsub.f32 v3, v8  }
0x1bd: {  	v4 =	vsub.f32 v4, v8;
	(erf) = vpow2.f32 v2  }
0x1be: {  	v3 =	vmul.f32 $1.442695020e+00, v3;
	v2 =	vsub.f32 v5, v8  }
0x1bf: {  	v4 =	vmul.f32 $1.442695020e+00, v4  }
0x1c0: {  	(erf) = vpow2.f32 v3;
	v2 =	vmul.f32 $1.442695020e+00, v2  }
0x1c1: {  	(erf) = vpow2.f32 v4  }
0x1c2: {  	v3 =	vsub.f32 v7, v8;
	(erf) = vpow2.f32 v2;
	v2 =	vsub.f32 v11, v8  }
0x1c3: {  	v4 =	vsub.f32 v9, v8  }
0x1c4: {  	v3 =	vmul.f32 $1.442695020e+00, v3  }
0x1c5: {  	v4 =	vmul.f32 $1.442695020e+00, v4  }
0x1c6: {  	v5 =	vsub.f32 v6, v8;
	(erf) = vpow2.f32 v3;
	v7 =	vmul.f32 $1.442695020e+00, v2;
	v2 =	vpop (erf)  }
0x1c7: {  	(erf) = vpow2.f32 v4;
	v4 =	vadd.f32 $0.0e+00, v2  }
0x1c8: {  	v5 =	vmul.f32 $1.442695020e+00, v5  }
0x1c9: {  	v6 =	vsub.f32 v10, v8;
	v3 =	vpop (erf);
	(erf) = vpow2.f32 v7  }
0x1ca: {  	(erf) = vpow2.f32 v5;
	v5 =	vadd.f32 v4, v3  }
0x1cb: {  	v9 =	vsub.f32 v12, v8;
	v6 =	vmul.f32 $1.442695020e+00, v6;
	v4 =	vpop (erf)  }
0x1cc: {  	v5 =	vadd.f32 v5, v4  }
0x1cd: {  	v9 =	vmul.f32 $1.442695020e+00, v9;
	(erf) = vpow2.f32 v6  }
0x1ce: {  	v10 =	vsub.f32 v13, v8;
	v6 =	vsub.f32 v14, v8;
	v7 =	vpop (erf)  }
0x1cf: {  	(erf) = vpow2.f32 v9;
	v9 =	vadd.f32 v5, v7  }
0x1d0: {  	v10 =	vmul.f32 $1.442695020e+00, v10;
	v5 =	vpop (erf)  }
0x1d1: {  	v8 =	vsub.f32 v15, v8;
	v9 =	vadd.f32 v9, v5  }
0x1d2: {  	v11 =	vmul.f32 $1.442695020e+00, v6;
	(erf) = vpow2.f32 v10;
	v6 =	vpop (erf)  }
0x1d3: {  	v8 =	vmul.f32 $1.442695020e+00, v8;
	v13 =	vpop (erf);
	v9 =	vadd.f32 v9, v6  }
0x1d4: {  	(erf) = vpow2.f32 v11;
	v10 =	vpop (erf)  }
0x1d5: {  	(erf) = vpow2.f32 v8;
	v8 =	vadd.f32 v9, v10  }
0x1d6: {  	v11 =	vpop (erf)  }
0x1d7: {  	v8 =	vadd.f32 v8, v11;
	_ =	sdelay $0x1  }
0x1d8: {  	v12 =	vpop (erf)  }
0x1d9: {  	v9 =	vadd.f32 v8, v12  }
0x1da: {  	v8 =	vpop (erf)  }
0x1db: {  	v14 =	vadd.f32 v9, v8;
	_ =	sdelay $0x1  }
0x1dc: {  	v9 =	vpop (erf)  }
0x1dd: {  	v15 =	vadd.f32 v14, v9  }
0x1de: {  	v14 =	vpop (erf)  }
0x1df: {  	v15 =	vadd.f32 v15, v14  }
0x1e0: {  	v13 =	vnsel vm0, $0x0, v13  }
0x1e1: {  	v15 =	vadd.f32 v15, v13;
	_ =	sdelay $0x1  }
0x1e2: {  	s4 =	simm.s32 $0x400;
	(xrf2) =	vadd.scan.msk.f32 $0xffff, v15  }
.LBB2_6:
0x1e3: {  	_ =	sdelay $0x1  }
0x1e4: {  	p0 =	sne.s32 s4, $0xC000;
	s5 =	smov.u32 s4;
	s4 =	sadd.s32 $0x400, s4  }
0x1e5: {  	_ =	sdelay $0x3  }
0x1e6: {  	s5 =	sshra.s32 s5, $0x2;
	_ =	sdelay $0x1  }
0x1e7: {  	v15, _, _ =	vpop (xrf2)  }
0x1e8: {  	v15 =	vadd.f32 $0.0e+00, v15;
	_ =	sdelay $0x1  }
0x1e9: {  	v15 =	vbroadcast v15, $0xF;
	_ =	sdelay $0x1  }
0x1ea: {  	(erf) = vrcp.f32 v15;
	_ =	sdelay $0x8  }
0x1eb: {  	v15 =	vpop (erf)  }
0x1ec: {  	v2 =	vmul.f32 v15, v2;
	v7 =	vmul.f32 v15, v7  }
0x1ed: {  	v3 =	vmul.f32 v15, v3;
	v4 =	vmul.f32 v15, v4  }
0x1ee: {  	[tilespmem:s3+$0x9600] =	vst v2;
	v2 =	vmul.f32 v15, v10;
	v10 =	vmul.f32 v15, v11  }
0x1ef: {  	v11 =	vld [tilespmem:s5+$0x9600];
	[tilespmem:s3+$0x9610] =	vst v3;
	v3 =	vmul.f32 v15, v5;
	v5 =	vmul.f32 v15, v6  }
0x1f0: {  	v8 =	vmul.f32 v15, v8;
	v6 =	vld [tilespmem:s5+$0x9610];
	[tilespmem:s3+$0x9620] =	vst v4;
	v4 =	vmul.f32 v15, v12  }
0x1f1: {  	v12 =	vld [tilespmem:s5+$0x9620];
	[tilespmem:s3+$0x9630] =	vst v7;
	v7 =	vmul.f32 v15, v9;
	v9 =	vmul.f32 v15, v14  }
0x1f2: {  	v14 =	vld [tilespmem:s5+$0x9630];
	[tilespmem:s3+$0x9660] =	vst v2;
	v2 =	vmul.f32 v15, v13  }
0x1f3: {  	v13 =	vld [tilespmem:s5+$0x9660];
	[tilespmem:s3+$0x9680] =	vst v4  }
0x1f4: {  	v4 =	vmax.f32 v11, $-1.000000020e+30;
	[tilespmem:s3+$0x96B0] =	vst v9  }
0x1f5: {  	v4 =	vmax.f32 v4, v6;
	[tilespmem:s3+$0x9670] =	vst v10  }
0x1f6: {  	v4 =	vmax.f32 v4, v12;
	v9 =	vld [tilespmem:s5+$0x9670];
	[tilespmem:s3+$0x96C0] =	vst v2  }
0x1f7: {  	v2 =	vmax.f32 v4, v14;
	[tilespmem:s3+$0x9640] =	vst v3  }
0x1f8: {  	v3 =	vld [tilespmem:s5+$0x9640];
	[tilespmem:s3+$0x9650] =	vst v5  }
0x1f9: {  	v4 =	vld [tilespmem:s5+$0x9650];
	[tilespmem:s3+$0x9690] =	vst v8  }
0x1fa: {  	v5 =	vld [tilespmem:s5+$0x96C0];
	[tilespmem:s3+$0x96A0] =	vst v7;
	s3 =	smov.u32 s5  }
0x1fb: {  	v7 =	vld [tilespmem:s3+$0x9680]  }
0x1fc: {  	v8 =	vld [tilespmem:s3+$0x9690]  }
0x1fd: {  	v2 =	vmax.f32 v2, v3  }
0x1fe: {  	v2 =	vmax.f32 v2, v4;
	v10 =	vld [tilespmem:s3+$0x96A0]  }
0x1ff: {  	v2 =	vmax.f32 v2, v13;
	v15 =	vld [tilespmem:s3+$0x96B0];
	v16 =	vnsel vm0, $0xF149F2CA, v5  }
0x200: {  	v2 =	vmax.f32 v2, v9  }
0x201: {  	v2 =	vmax.f32 v2, v7  }
0x202: {  	v2 =	vmax.f32 v2, v8  }
0x203: {  	v2 =	vmax.f32 v2, v10  }
0x204: {  	v2 =	vmax.f32 v2, v15  }
0x205: {  	v2 =	vmax.f32 v2, v16  }
0x206: {  	(xrf0) =	vmax.scan.msk.f32 $0xffff, v2;
	_ =	sdelay $0x5  }
0x207: {  	v2, _, _ =	vpop (xrf0)  }
0x208: {  	v2 =	vbroadcast v2, $0xF;
	_ =	sdelay $0x1  }
0x209: {  	v11 =	vsub.f32 v11, v2;
	v14 =	vsub.f32 v14, v2  }
0x20a: {  	v6 =	vsub.f32 v6, v2;
	v12 =	vsub.f32 v12, v2  }
0x20b: {  	v3 =	vsub.f32 v3, v2;
	v11 =	vmul.f32 $1.442695020e+00, v11;
	v14 =	vmul.f32 $1.442695020e+00, v14  }
0x20c: {  	v4 =	vsub.f32 v4, v2;
	v13 =	vsub.f32 v13, v2;
	v6 =	vmul.f32 $1.442695020e+00, v6  }
0x20d: {  	v9 =	vsub.f32 v9, v2;
	v12 =	vmul.f32 $1.442695020e+00, v12;
	(erf) = vpow2.f32 v11  }
0x20e: {  	v7 =	vsub.f32 v7, v2;
	v3 =	vmul.f32 $1.442695020e+00, v3;
	(erf) = vpow2.f32 v6  }
0x20f: {  	v4 =	vmul.f32 $1.442695020e+00, v4;
	v6 =	vsub.f32 v8, v2;
	(erf) = vpow2.f32 v12  }
0x210: {  	v10 =	vsub.f32 v10, v2;
	v9 =	vmul.f32 $1.442695020e+00, v9;
	v8 =	vmul.f32 $1.442695020e+00, v13  }
0x211: {  	v11 =	vmul.f32 $1.442695020e+00, v7;
	v7 =	vsub.f32 v15, v2;
	(erf) = vpow2.f32 v14  }
0x212: {  	v10 =	vmul.f32 $1.442695020e+00, v10;
	v2 =	vsub.f32 v5, v2;
	v6 =	vmul.f32 $1.442695020e+00, v6  }
0x213: {  	v12 =	vmul.f32 $1.442695020e+00, v7  }
0x214: {  	v5 =	vmul.f32 $1.442695020e+00, v2  }
0x215: {  	(erf) = vpow2.f32 v3  }
0x216: {  	v2 =	vpop (erf);
	(erf) = vpow2.f32 v4  }
0x217: {  	v13 =	vadd.f32 $0.0e+00, v2;
	v3 =	vpop (erf);
	(erf) = vpow2.f32 v5  }
0x218: {  	v4 =	vpop (erf);
	(erf) = vpow2.f32 v8  }
0x219: {  	v5 =	vadd.f32 v13, v3  }
0x21a: {  	v7 =	vpop (erf);
	(erf) = vpow2.f32 v9  }
0x21b: {  	v9 =	vadd.f32 v5, v4  }
0x21c: {  	(erf) = vpow2.f32 v11  }
0x21d: {  	v8 =	vadd.f32 v9, v7  }
0x21e: {  	v5 =	vpop (erf);
	(erf) = vpow2.f32 v6  }
0x21f: {  	v8 =	vadd.f32 v8, v5;
	v6 =	vpop (erf)  }
0x220: {  	(erf) = vpow2.f32 v10;
	v13 =	vpop (erf)  }
0x221: {  	v8 =	vadd.f32 v8, v6;
	v10 =	vpop (erf)  }
0x222: {  	(erf) = vpow2.f32 v12  }
0x223: {  	v8 =	vadd.f32 v8, v10;
	v11 =	vpop (erf);
	_ =	sdelay $0x1  }
0x224: {  	v14 =	vadd.f32 v8, v11;
	v12 =	vpop (erf);
	_ =	sdelay $0x1  }
0x225: {  	v15 =	vadd.f32 v14, v12;
	v8 =	vpop (erf);
	_ =	sdelay $0x1  }
0x226: {  	v16 =	vadd.f32 v15, v8;
	v9 =	vpop (erf);
	_ =	sdelay $0x1  }
0x227: {  	v15 =	vadd.f32 v16, v9;
	v14 =	vpop (erf);
	_ =	sdelay $0x1  }
.Ltmp2:
0x228: {  	v13 =	vnsel vm0, $0x0, v13;
	v15 =	vadd.f32 v15, v14;
	(pc) =	sbr.rel @p0 .LBB2_6-.Ltmp2, $3  }
0x229: {  	_ = 	snop  }
0x22a: {  	v15 =	vadd.f32 v15, v13;
	_ =	sdelay $0x1  }
0x22b: {  	(xrf2) =	vadd.scan.msk.f32 $0xffff, v15  }
0x22c: {  	_ =	sdelay $0x8  }
0x22d: {  	v15, _, _ =	vpop (xrf2)  }
0x22e: {  	v15 =	vadd.f32 $0.0e+00, v15;
	_ =	sdelay $0x1  }
0x22f: {  	v15 =	vbroadcast v15, $0xF;
	_ =	sdelay $0x1  }
0x230: {  	(erf) = vrcp.f32 v15;
	_ =	sdelay $0x8  }
0x231: {  	v15 =	vpop (erf)  }
0x232: {  	v2 =	vmul.f32 v15, v2  }
0x233: {  	v3 =	vmul.f32 v15, v3  }
0x234: {  	v4 =	vmul.f32 v15, v4;
	[tilespmem:s3+$0x9600] =	vst v2  }
0x235: {  	v2 =	vmul.f32 v15, v7;
	[tilespmem:s3+$0x9610] =	vst v3  }
0x236: {  	v3 =	vmul.f32 v15, v10;
	[tilespmem:s3+$0x9620] =	vst v4  }
0x237: {  	v4 =	vmul.f32 v15, v12;
	[tilespmem:s3+$0x9630] =	vst v2  }
0x238: {  	v2 =	vmul.f32 v15, v14;
	[tilespmem:s3+$0x9660] =	vst v3  }
0x239: {  	v3 =	vmul.f32 v15, v11;
	[tilespmem:s3+$0x9680] =	vst v4  }
0x23a: {  	v4 =	vmul.f32 v15, v13;
	[tilespmem:s3+$0x96B0] =	vst v2  }
0x23b: {  	v2 =	vmul.f32 v15, v5;
	[tilespmem:s3+$0x9670] =	vst v3  }
0x23c: {  	v3 =	vmul.f32 v15, v6;
	[tilespmem:s3+$0x96C0] =	vst v4  }
0x23d: {  	v4 =	vmul.f32 v15, v8;
	[tilespmem:s3+$0x9640] =	vst v2  }
0x23e: {  	v2 =	vmul.f32 v15, v9;
	[tilespmem:s3+$0x9650] =	vst v3  }
0x23f: {  	[tilespmem:s3+$0x9690] =	vst v4  }
0x240: {  	s4 =	simm.s32 $0x3120;
	[tilespmem:s3+$0x96A0] =	vst v2  }
0x241: {  	v3 =	vld [tilespmem:s4+$0x0]  }
0x242: {  	s5 =	simm.s32 $0x20;
	v4 =	vld [tilespmem:s4+$0xFFFFFFF0]  }
0x243: {  	v5 =	vld [tilespmem:s5+$0xFFFFFFF0]  }
0x244: {  	v6 =	vld [tilespmem:s5+$0x10]  }
0x245: {  	s11 =	simm.s32 $0x18A0;
	v14 =	vld [tilespmem:s4+$0x10]  }
0x246: {  	v2 =	vld [tilespmem:s11+$0x10]  }
0x247: {  	v7 =	vld [tilespmem:s11+$0xFFFFFFF0]  }
0x248: {  	v9 =	vshll.u32 v3, $0x3;
	v10 =	vand.u32 $0x7F, v3;
	v3 =	vld [tilespmem:s5+$0x0]  }
0x249: {  	v8 =	vld [tilespmem:s11+$0x0];
	v11 =	vshll.u32 v4, $0x3;
	v12 =	vshll.u32 v5, $0x8;
	v13 =	vshrl.u32 v5, $0x3  }
0x24a: {  	v17 =	vld [tilespmem:s5+$0xFFFFFFE0];
	v16 =	vand.u32 $0x7F, v4;
	v4 =	vshll.u32 v6, $0x8;
	v19 =	vshll.u32 v14, $0x3  }
0x24b: {  	v21 =	vand.u32 $0x7F, v14;
	v11 =	vand.u32 $0xFFFFFC00, v11;
	v2 =	vadd.s32 v2, v4  }
0x24c: {  	s6 =	simm.s32 $0x49A0;
	v13 =	vmul.u32 $0x1800, v13;
	v7 =	vadd.s32 v7, v12;
	v4 =	vshll.u32 v5, $0x7  }
0x24d: {  	v15 =	vld [tilespmem:s6+$0x10];
	v5 =	vand.u32 $0xFFFFFC00, v9;
	v9 =	vshrl.u32 v6, $0x3;
	v12 =	vshll.u32 v3, $0x8  }
0x24e: {  	v9 =	vmul.u32 $0x1800, v9;
	v11 =	vadd.s32 v13, v11;
	v13 =	vld [tilespmem:s11+$0xFFFFFFE0];
	v8 =	vadd.s32 v8, v12  }
0x24f: {  	v20 =	vld [tilespmem:s4+$0xFFFFFFE0];
	v23 =	vshll.u32 v17, $0x8;
	v24 =	vshrl.u32 v17, $0x3;
	v12 =	vand.u32 $0xFFFFFC00, v19  }
0x250: {  	v6 =	vshll.u32 v6, $0x7;
	v18 =	vshrl.u32 v3, $0x3;
	v2 =	vld.idx.msk [tilespmem:v2+s30+$0x0], $0xffff;
	v9 =	vadd.s32 v9, v12  }
0x251: {  	v6 =	vand.u32 $0x380, v6;
	v12 =	vmul.u32 $0x1800, v18;
	v14 =	vor.u32 v21, v9  }
0x252: {  	v22 =	vld [tilespmem:s6+$0x0];
	v3 =	vshll.u32 v3, $0x7;
	v19 =	vor.u32 v16, v11;
	v14 =	vor.u32 v6, v14  }
0x253: {  	v18 =	vand.u32 $0x380, v4;
	v25 =	vadd.s32 v12, v5;
	v5 =	vadd.s32 v13, v23;
	v4 =	vld.idx.msk [tilespmem:v8+s30+$0x0], $0xffff  }
0x254: {  	v62 =	vld [tilespmem:s6+$0xFFFFFFF0];
	v63 =	vand.u32 $0x380, v3;
	v3 =	vshll.u32 v20, $0x3;
	v8 =	vor.u32 v10, v25  }
0x255: {  	v13 =	vmul.u32 $0x1800, v24;
	v12 =	vld [tilespmem:s6+$0xFFFFFFE0];
	v15 =	vmul.f32 v15, v2;
	v26 =	vor.u32 v63, v8  }
0x256: {  	v17 =	vshll.u32 v17, $0x7;
	v8 =	vor.u32 v18, v19;
	v19 =	vand.u32 $0xFFFFFC00, v3;
	v3 =	vld.idx.msk [tilespmem:v7+s30+$0x0], $0xffff  }
0x257: {  	v11 =	vor.u32 v18, v11;
	v19 =	vadd.s32 v13, v19;
	v13 =	vand.u32 $0x380, v17;
	[tilespmem:v14+s31+$0x0] =	vst.idx.add.f32.msk $0xffff, v15  }
0x258: {  	s4 =	simm.s32 $0x6220;
	v7 =	vand.u32 $0x7F, v20;
	v15 =	vor.u32 v13, v19;
	v5 =	vld.idx.msk [tilespmem:v5+s30+$0x0], $0xffff;
	v17 =	vmul.f32 v22, v4  }
0x259: {  	s8 =	simm.s32 $0x3160;
	s9 =	simm.s32 $0x49E0;
	v6 =	vor.u32 v6, v9;
	v14 =	vor.u32 v7, v19;
	v7 =	vor.u32 v7, v15;
	v15 =	vld [tilespmem:s4+$0x10]  }
0x25a: {  	s10 =	simm.s32 $0x18E0;
	s7 =	simm.s32 $0x6220;
	s3 =	simm.s32 $0x7AA0;
	v9 =	vor.u32 v21, v6;
	v6 =	vor.u32 v63, v25;
	[tilespmem:v26+s31+$0x0] =	vst.idx.add.f32.msk $0xffff, v17  }
0x25b: {  	s5 =	simm.s32 $0x7AA0;
	s11 =	simm.s32 $0x60;
	s6 =	simm.s32 $0x0;
	v11 =	vor.u32 v16, v11;
	v10 =	vor.u32 v10, v6;
	v17 =	vmul.f32 v62, v3;
	v16 =	vld [tilespmem:s4+$0x0]  }
.LBB2_8:
0x25c: {  	v18 =	vld [tilespmem:s10+$0x10];
	s6 =	sadd.s32 $0x40, s6;
	s5 =	sadd.s32 $0x40, s5;
	s4 =	sadd.s32 $0x40, s4  }
0x25d: {  	v13 =	vor.u32 v13, v14;
	v19 =	vld [tilespmem:s9+$0x10];
	p0 =	slt.u32 s6, $0x1840  }
0x25e: {  	v12 =	vmul.f32 v12, v5;
	v6 =	vld [tilespmem:s9+$0xFFFFFFF0];
	v14 =	vmul.f32 v15, v2  }
0x25f: {  	v15 =	vld [tilespmem:s8+$0x0]  }
0x260: {  	[tilespmem:v8+s31+$0x0] =	vst.idx.add.f32.msk $0xffff, v17;
	v8 =	vmul.f32 v16, v4;
	v16 =	vadd.s32 $0x800, v9  }
0x261: {  	v17 =	vld [tilespmem:s7+$0xFFFFFFF0]  }
0x262: {  	[tilespmem:v13+s31+$0x0] =	vst.idx.add.f32.msk $0xffff, v12  }
0x263: {  	v12 =	vld [tilespmem:s7+$0xFFFFFFE0];
	s7 =	smov.u32 s4  }
0x264: {  	v13 =	vld [tilespmem:s10+$0x0]  }
0x265: {  	[tilespmem:v16+s31+$0x0] =	vst.idx.add.f32.msk $0xffff, v14  }
0x266: {  	v20 =	vadd.s32 $0x800, v7;
	v16 =	vshll.u32 v15, $0x3;
	v14 =	vld [tilespmem:s10+$0xFFFFFFF0];
	v17 =	vmul.f32 v17, v3  }
0x267: {  	v21 =	vld [tilespmem:s8+$0xFFFFFFF0]  }
0x268: {  	v22 =	vld [tilespmem:s11+$0xFFFFFFF0];
	v12 =	vmul.f32 v12, v5  }
0x269: {  	v23 =	vld [tilespmem:s11+$0x10]  }
0x26a: {  	v24 =	vadd.s32 $0x1000, v11;
	v25 =	vld [tilespmem:s3+$0x10]  }
0x26b: {  	v11 =	vadd.s32 $0x800, v11;
	v15 =	vand.u32 $0x7F, v15;
	[tilespmem:v20+s31+$0x0] =	vst.idx.add.f32.msk $0xffff, v12;
	v20 =	vadd.s32 $0x1000, v10  }
0x26c: {  	v9 =	vadd.s32 $0x1000, v9;
	v10 =	vadd.s32 $0x800, v10;
	v12 =	vld [tilespmem:s10+$0xFFFFFFE0];
	v26 =	vshll.u32 v21, $0x3  }
0x26d: {  	v27 =	vshll.u32 v22, $0x8;
	v28 =	vshrl.u32 v22, $0x3;
	v26 =	vand.u32 $0xFFFFFC00, v26;
	v29 =	vld [tilespmem:s11+$0x0]  }
0x26e: {  	v21 =	vand.u32 $0x7F, v21;
	v28 =	vmul.u32 $0x1800, v28;
	v30 =	vld [tilespmem:s8+$0x10];
	v31 =	vshll.u32 v23, $0x8  }
0x26f: {  	v27 =	vadd.s32 v14, v27;
	v14 =	vadd.s32 v18, v31;
	v18 =	vld [tilespmem:s3+$0xFFFFFFE0];
	v2 =	vmul.f32 v25, v2  }
0x270: {  	v16 =	vand.u32 $0xFFFFFC00, v16;
	v22 =	vshll.u32 v22, $0x7;
	v31 =	vshrl.u32 v23, $0x3;
	v25 =	vld [tilespmem:s11+$0xFFFFFFE0]  }
0x271: {  	v7 =	vadd.s32 $0x1000, v7;
	v26 =	vadd.s32 v28, v26;
	v28 =	vmul.u32 $0x1800, v31;
	[tilespmem:v10+s31+$0x0] =	vst.idx.add.f32.msk $0xffff, v8  }
0x272: {  	v23 =	vshll.u32 v23, $0x7;
	v10 =	vld [tilespmem:s8+$0xFFFFFFE0];
	v8 =	vshrl.u32 v29, $0x3;
	v31 =	vshll.u32 v29, $0x7  }
0x273: {  	v32 =	vor.u32 v21, v26;
	v33 =	vmul.u32 $0x1800, v8;
	v34 =	vshll.u32 v30, $0x3;
	[tilespmem:v9+s31+$0x0] =	vst.idx.add.f32.msk $0xffff, v2  }
0x274: {  	v22 =	vand.u32 $0x380, v22;
	v9 =	vshll.u32 v29, $0x8;
	v29 =	vand.u32 $0x7F, v30;
	v2 =	vld.idx.msk [tilespmem:v14+s30+$0x0], $0xffff  }
0x275: {  	v8 =	vor.u32 v22, v32;
	v9 =	vadd.s32 v13, v9;
	v13 =	vand.u32 $0xFFFFFC00, v34;
	[tilespmem:v11+s31+$0x0] =	vst.idx.add.f32.msk $0xffff, v17  }
0x276: {  	v5 =	vmul.f32 v18, v5;
	v11 =	vadd.s32 v28, v13;
	v17 =	vand.u32 $0x380, v23;
	v13 =	vld [tilespmem:s3+$0xFFFFFFF0]  }
0x277: {  	v14 =	vshrl.u32 v25, $0x3;
	v16 =	vadd.s32 v33, v16;
	v18 =	vor.u32 v29, v11;
	v23 =	vld [tilespmem:s3+$0x0];
	s3 =	smov.u32 s5  }
0x278: {  	v14 =	vmul.u32 $0x1800, v14;
	v32 =	vor.u32 v15, v16;
	v28 =	vshll.u32 v10, $0x3;
	v30 =	vld [tilespmem:s9+$0x0]  }
0x279: {  	v33 =	vshll.u32 v25, $0x7;
	v18 =	vor.u32 v17, v18;
	v28 =	vand.u32 $0xFFFFFC00, v28;
	[tilespmem:v7+s31+$0x0] =	vst.idx.add.f32.msk $0xffff, v5  }
0x27a: {  	v5 =	vshll.u32 v25, $0x8;
	v7 =	vand.u32 $0x7F, v10;
	v10 =	vadd.s32 v14, v28;
	v25 =	vld.idx.msk [tilespmem:v9+s30+$0x0], $0xffff  }
0x27b: {  	v5 =	vadd.s32 v12, v5;
	v14 =	vor.u32 v7, v10;
	v12 =	vld [tilespmem:s9+$0xFFFFFFE0];
	v9 =	vmul.f32 v13, v3  }
0x27c: {  	v19 =	vmul.f32 v19, v2;
	v3 =	vld.idx.msk [tilespmem:v27+s30+$0x0], $0xffff;
	v27 =	vand.u32 $0x380, v31;
	v4 =	vmul.f32 v23, v4  }
0x27d: {  	v11 =	vor.u32 v17, v11;
	v13 =	vand.u32 $0x380, v33;
	v23 =	vor.u32 v27, v32;
	[tilespmem:v24+s31+$0x0] =	vst.idx.add.f32.msk $0xffff, v9  }
0x27e: {  	v10 =	vor.u32 v13, v10;
	v9 =	vor.u32 v29, v11;
	[tilespmem:v20+s31+$0x0] =	vst.idx.add.f32.msk $0xffff, v4  }
.Ltmp3:
0x27f: {  	v7 =	vor.u32 v7, v10;
	v17 =	vor.u32 v27, v16;
	[tilespmem:v18+s31+$0x0] =	vst.idx.add.f32.msk $0xffff, v19;
	(pc) =	sbr.rel @p0 .LBB2_8-.Ltmp3, $4  }
0x280: {  	v11 =	vor.u32 v22, v26;
	v10 =	vor.u32 v15, v17;
	v16 =	vmul.f32 v30, v25;
	v5 =	vld.idx.msk [tilespmem:v5+s30+$0x0], $0xffff  }
0x281: {  	v11 =	vor.u32 v21, v11;
	v4 =	vmov v25;
	v15 =	vld [tilespmem:s4+$0x10]  }
0x282: {  	s8 =	sadd.s32 $0x40, s8;
	v17 =	vmul.f32 v6, v3;
	[tilespmem:v23+s31+$0x0] =	vst.idx.add.f32.msk $0xffff, v16  }
0x283: {  	s10 =	sadd.s32 $0x40, s10;
	s11 =	sadd.s32 $0x40, s11;
	s9 =	sadd.s32 $0x40, s9;
	v16 =	vld [tilespmem:s4+$0x0]  }
0x284: {  	_ = 	snop  }
0x285: {  	v6 =	vor.u32 v13, v14;
	_ =	sdelay $0x1  }
0x286: {  	v49 =	vadd.s32 $0x800, v9  }
0x287: {  	[tilespmem:v8+s31+$0x0] =	vst.idx.add.f32.msk $0xffff, v17;
	v12 =	vmul.f32 v12, v5  }
0x288: {  	v53 =	vadd.s32 $0x800, v10;
	v52 =	vld [tilespmem:s7+$0xFFFFFFF0]  }
0x289: {  	v51 =	vmul.f32 v15, v2;
	[tilespmem:v6+s31+$0x0] =	vst.idx.add.f32.msk $0xffff, v12  }
0x28a: {  	v55 =	vadd.s32 $0x800, v11;
	v12 =	vld [tilespmem:s7+$0xFFFFFFE0]  }
0x28b: {  	v16 =	vmul.f32 v16, v4;
	[tilespmem:v49+s31+$0x0] =	vst.idx.add.f32.msk $0xffff, v51  }
0x28c: {  	v50 =	vadd.s32 $0x800, v7;
	v13 =	vld [tilespmem:s3+$0x10]  }
0x28d: {  	v56 =	vmul.f32 v52, v3;
	[tilespmem:v53+s31+$0x0] =	vst.idx.add.f32.msk $0xffff, v16  }
0x28e: {  	v60 =	vld [tilespmem:s3+$0x0]  }
0x28f: {  	[tilespmem:v55+s31+$0x0] =	vst.idx.add.f32.msk $0xffff, v56;
	v54 =	vmul.f32 v12, v5  }
0x290: {  	v57 =	vadd.s32 $0x1000, v9;
	v58 =	vld [tilespmem:s3+$0xFFFFFFF0]  }
0x291: {  	[tilespmem:v50+s31+$0x0] =	vst.idx.add.f32.msk $0xffff, v54  }
0x292: {  	v61 =	vadd.s32 $0x1000, v11;
	v8 =	vld [tilespmem:s3+$0xFFFFFFE0]  }
0x293: {  	v62 =	vadd.s32 $0x1000, v10;
	v2 =	vmul.f32 v13, v2  }
0x294: {  	v59 =	vadd.s32 $0x1000, v7  }
0x295: {  	[tilespmem:v57+s31+$0x0] =	vst.idx.add.f32.msk $0xffff, v2;
	v2 =	vmul.f32 v58, v3  }
0x296: {  	v3 =	vmul.f32 v60, v4  }
0x297: {  	[tilespmem:v61+s31+$0x0] =	vst.idx.add.f32.msk $0xffff, v2;
	v63 =	vmul.f32 v8, v5  }
0x298: {  	[tilespmem:v62+s31+$0x0] =	vst.idx.add.f32.msk $0xffff, v3  }
0x299: {  	[tilespmem:v59+s31+$0x0] =	vst.idx.add.f32.msk $0xffff, v63  }
0x29a: {  	[hbm4b:s23+s2] =	stream.linear.scatter [tilespmem:s31], [sflag:$0x2], $0xC000, $0x38;
	[tilespmem:$0x1D680] =	vst v63  }
0x29b: {  	s0 =	sadd.s32 $0x1, s0;
	_ =	swait.ge [sflag:s28], $0xC000  }
0x29c: {  	p0 =	sne.s32 s0, s25;
	[sflag:s28] =	ssyncset.done $0x0  }
.Ltmp4:
0x29d: {  	[sflag:s28] =	ssyncadd.s32 $0xFFFF4000;
	(pc) =	sbr.rel @p0 .LBB2_1-.Ltmp4, $4  }
0x29e: {  	[hbm4b:s24+s2] =	stream.linear.scatter [tilespmem:s1], [sflag:$0x2], $0x40, $0x38;
	[tilespmem:$0x1D680] =	vst v63  }
0x29f: {  	_ =	swait.ge [sflag:s28], $0x40  }
0x2a0: {  	[sflag:s28] =	ssyncset.done $0x0  }
0x2a1: {  	[sflag:s28] =	ssyncadd.s32 $0xFFFFFFC0  }
0x2a2: {  	_ =	sfence.sel $0x180000  }
0x2a3: {  	[bflag:$0x0] =	sbarrier.arrive $0xFFFF  }
0x2a4: {  	_ =	strace $0x90000047  }
0x2a5: {  	s0 =	stileid.u32;
	[bflag:$0x2] =	sbarrier.arrive $0xFFFF  }
0x2a6: {  	p0 =	sne.s32 s0, $0x0;
	s0 =	rddreg [dreg:$0x3]  }
0x2a7: {  	s0 =	sadd.s32 @!p0 $0x100000, s0  }
0x2a8: {  	[sflag:s0] =	ssyncadd.tile.s32 @!p0 $0x1;
	_ =	shalt  }
.Lfunc_end2:
_tile_overlayer_lowered:
.L_overlay_start_2:
0x2a9: {  	(tag) =	ssettag $0x2  }
0x2aa: {  	s0 =	rddreg [dreg:$0x0];
	s2 =	stileid.u32  }
0x2ab: {  	s1 =	rddreg [dreg:$0x1];
	p0 =	sne.s32 s2, $0x0  }
0x2ac: {  	s3 =	rddreg [dreg:$0x2];
	[bflag:$0x3] =	sbarrier.arrive $0xFFFF;
	s2 =	simm.s32 @!p0 $0x1C02  }
0x2ad: {  	[timem:s3], [sflag:s2] =	dma.local @!p0 [hbm:s0], s1  }
0x2ae: {  	s0 =	simm.s32 @!p0 $0x2  }
0x2af: {  	_ =	swait.ge @!p0 [sflag:s0], s1  }
0x2b0: {  	s1 =	ssub.s32 @!p0 $0x0, s1;
	[sflag:s0] =	ssyncset.done @!p0 $0x0  }
0x2b1: {  	[sflag:s0] =	ssyncadd.s32 @!p0 s1  }
0x2b2: {  	[bflag:$0x3] =	sbarrier.arrive $0xFFFF  }
0x2b3: {  	_ =	shalt  }

</sc_bundles>
